<compile_context>
chip_gen: v7x
topology: tpu7x:2x2x1
jax: 0.10.2.dev20260603
libtpu: 0.0.44.dev20260713+nightly
codegen_flags: <defaults>
</compile_context>

<pallas_src>
import functools
import math

import jax
import jax.numpy as jnp
from jax import lax
from jax.experimental import pallas as pl
from jax.experimental.pallas import tpu as pltpu
from jax.experimental.pallas import tpu_sc as plsc

D = 128
SCALE = math.sqrt(D)
NC = 2
NS = 16
NW = NC * NS
CHUNK = 128
LANES = 16
NBUF = 2


def _make_emb_kernel(n_chunks: int):
    assert n_chunks % NBUF == 0 and n_chunks // NBUF >= 2
    n_groups = n_chunks // NBUF
    mesh = plsc.VectorSubcoreMesh(core_axis_name="c", subcore_axis_name="s")

    @functools.partial(
        pl.kernel,
        mesh=mesh,
        out_type=jax.ShapeDtypeStruct((NW * n_chunks, CHUNK, D), jnp.float32),
        scratch_types=[
            pltpu.VMEM((n_chunks, CHUNK), jnp.int32),
            pltpu.VMEM((NBUF, CHUNK, D), jnp.float32),
            pltpu.VMEM((NBUF, CHUNK, D), jnp.float32),
            pltpu.SemaphoreType.DMA,
            pltpu.SemaphoreType.DMA,
            pltpu.SemaphoreType.DMA,
            pltpu.SemaphoreType.DMA,
        ],
    )
    def emb(idx_hbm, table_hbm, out_hbm, idx_v, in_v, out_v, g0, g1, o0, o1):
        gsems = (g0, g1)
        osems = (o0, o1)
        c = lax.axis_index("c")
        s = lax.axis_index("s")
        wid = s * NC + c
        pltpu.sync_copy(idx_hbm.at[wid], idx_v)

        def scale(b):
            def scale_row(r, carry):
                for col in range(D // LANES):
                    sl = pl.ds(col * LANES, LANES)
                    out_v[b, r, sl] = in_v[b, r, sl] * SCALE
                return carry

            lax.fori_loop(0, CHUNK, scale_row, 0)

        def chunk_step(g, b, do_owait, do_prefetch):
            pltpu.make_async_copy(
                table_hbm.at[idx_v.at[g]], in_v.at[b], gsems[b]
            ).wait()
            if do_owait:
                pltpu.make_async_copy(out_v.at[b], out_hbm.at[0], osems[b]).wait()
            scale(b)
            if do_prefetch:
                pltpu.async_copy(
                    table_hbm.at[idx_v.at[g + NBUF]], in_v.at[b], gsems[b]
                )
            pltpu.async_copy(out_v.at[b], out_hbm.at[wid * n_chunks + g], osems[b])

        for b in range(NBUF):
            pltpu.async_copy(table_hbm.at[idx_v.at[b]], in_v.at[b], gsems[b])

        for b in range(NBUF):
            chunk_step(b, b, do_owait=False, do_prefetch=True)

        def group(t, carry):
            for b in range(NBUF):
                chunk_step(t * NBUF + b, b, do_owait=True, do_prefetch=True)
            return carry

        lax.fori_loop(1, n_groups - 1, group, 0)

        for b in range(NBUF):
            chunk_step((n_groups - 1) * NBUF + b, b, do_owait=True,
                       do_prefetch=False)

        for b in range(NBUF):
            pltpu.make_async_copy(out_v.at[b], out_hbm.at[0], osems[b]).wait()

    return emb


@jax.jit
def kernel(x, table):
    b, h = x.shape
    n_total = b * h
    assert n_total % (NW * CHUNK) == 0
    n_chunks = n_total // (NW * CHUNK)
    idx = x.reshape(NW, n_chunks, CHUNK).astype(jnp.int32)
    emb = _make_emb_kernel(n_chunks)
    out = emb(idx, table)
    return out.reshape(b, h, D)

# --- scband reference (transcript-rebuilt; emitter-appended) ---
"""Pipeline reference for scband-embeddings-62122406969443 (READ-ONLY COPY).

The authoritative reference and input builder live on the scoring server;
editing this copy changes nothing except your own understanding.
"""

import jax, jax.numpy as jnp
import numpy as np
import math

VOCAB_LEN = 100000
D_MODEL = 128
PADDING_IDX = 0
BATCH = 4096
HIST = 50

def setup_inputs(seed: int = 0) -> dict:
    key = jax.random.key(seed)
    k_idx, k_tab = jax.random.split(key)
    # indices into table of shape [vocab_len - 1, d_model] -> values in [0, vocab_len-1)
    x = jax.random.randint(k_idx, (BATCH, HIST), 0, VOCAB_LEN - 1, dtype=jnp.int64 if jax.config.jax_enable_x64 else jnp.int32)
    table = jax.random.normal(k_tab, (VOCAB_LEN - 1, D_MODEL), dtype=jnp.float32)
    # module zeroes the padding row at init
    table = table.at[PADDING_IDX].set(0.0)
    return {"x": x, "table": table}

def reference(x, table):
    # forward re-zeroes the padding row if it became nonzero, then gathers and scales
    t = table.at[PADDING_IDX].set(0.0)
    out = jnp.take(t, x, axis=0) * math.sqrt(D_MODEL)
    return out

if __name__ == "__main__":
    import jax
    _d = setup_inputs()
    print(jax.jit(kernel)(*tuple(_d.values())))

</pallas_src>

<mosaic_0001>
#map = affine_map<(d0, d1) -> (0, 0, 0)>
#map1 = affine_map<(d0, d1) -> (0, 0)>
module attributes {stable_mosaic.version = 14 : i64} {
  func.func @emb(%arg0: i32, %arg1: i32, %arg2: memref<32x50x128xi32, #tpu.memory_space<hbm>>, %arg3: memref<99999x128xf32, #tpu.memory_space<hbm>>, %arg4: memref<1600x128x128xf32, #tpu.memory_space<hbm>>, %arg5: memref<50x128xi32, #tpu.memory_space<vmem>>, %arg6: memref<2x128x128xf32, #tpu.memory_space<vmem>>, %arg7: memref<2x128x128xf32, #tpu.memory_space<vmem>>, %arg8: memref<!tpu.dma_semaphore, #tpu.memory_space<semaphore_mem>>, %arg9: memref<!tpu.dma_semaphore, #tpu.memory_space<semaphore_mem>>, %arg10: memref<!tpu.dma_semaphore, #tpu.memory_space<semaphore_mem>>, %arg11: memref<!tpu.dma_semaphore, #tpu.memory_space<semaphore_mem>>) attributes {dimension_semantics = [#tpu.dimension_semantics<core_parallel>, #tpu.dimension_semantics<subcore_parallel>], iteration_bounds = array<i64: 2, 16>, scalar_prefetch = 0 : i64, scratch_operands = 7 : i64, tpu.core_type = #tpu.core_type<sc_vector_subcore>, window_params = [{transform_indices = #map}, {transform_indices = #map1}, {transform_indices = #map}]} {
    %mul3A = arith.constant 2 : i32
    %mul3A_0 = arith.muli %arg1, %mul3A : i32
    %add3A = arith.addi %mul3A_0, %arg0 : i32
    "tpu.region"() ({
      %run_scoped3A = tpu.sem_alloc : memref<!tpu.dma_semaphore, #tpu.memory_space<semaphore_mem>>
      %dma_start3A_280 = arith.constant 0 : i32
      %dma_start3A_281 = arith.constant 0 : i32
      %dma_start3A_282 = tpu.memref_slice %arg2[%add3A, %dma_start3A_280, %dma_start3A_281] : memref<32x50x128xi32, #tpu.memory_space<hbm>> -> memref<1x50x128xi32, #tpu.memory_space<hbm>>
      %dma_start3A_283 = tpu.memref_squeeze %dma_start3A_282 : memref<1x50x128xi32, #tpu.memory_space<hbm>> -> memref<50x128xi32, #tpu.memory_space<hbm>>
      %dma_start3A_284 = arith.constant 0 : i32
      %dma_start3A_285 = arith.constant 0 : i32
      %dma_start3A_286 = tpu.memref_slice %arg2[%add3A, %dma_start3A_284, %dma_start3A_285] : memref<32x50x128xi32, #tpu.memory_space<hbm>> -> memref<1x50x128xi32, #tpu.memory_space<hbm>>
      %dma_start3A_287 = tpu.memref_squeeze %dma_start3A_286 : memref<1x50x128xi32, #tpu.memory_space<hbm>> -> memref<50x128xi32, #tpu.memory_space<hbm>>
      tpu.enqueue_dma source(%dma_start3A_287 : memref<50x128xi32, #tpu.memory_space<hbm>>) target(%arg5 : memref<50x128xi32, #tpu.memory_space<vmem>>) target_semaphore(%run_scoped3A : memref<!tpu.dma_semaphore, #tpu.memory_space<semaphore_mem>>)
      %dma_wait3A_288 = arith.constant 0 : i32
      %dma_wait3A_289 = arith.constant 0 : i32
      %dma_wait3A_290 = tpu.memref_slice %arg2[%add3A, %dma_wait3A_288, %dma_wait3A_289] : memref<32x50x128xi32, #tpu.memory_space<hbm>> -> memref<1x50x128xi32, #tpu.memory_space<hbm>>
      %dma_wait3A_291 = tpu.memref_squeeze %dma_wait3A_290 : memref<1x50x128xi32, #tpu.memory_space<hbm>> -> memref<50x128xi32, #tpu.memory_space<hbm>>
      %dma_wait3A_292 = arith.constant 0 : i32
      %dma_wait3A_293 = arith.constant 0 : i32
      %dma_wait3A_294 = tpu.memref_slice %arg2[%add3A, %dma_wait3A_292, %dma_wait3A_293] : memref<32x50x128xi32, #tpu.memory_space<hbm>> -> memref<1x50x128xi32, #tpu.memory_space<hbm>>
      %dma_wait3A_295 = tpu.memref_squeeze %dma_wait3A_294 : memref<1x50x128xi32, #tpu.memory_space<hbm>> -> memref<50x128xi32, #tpu.memory_space<hbm>>
      tpu.wait_dma2 semaphore(%run_scoped3A : memref<!tpu.dma_semaphore, #tpu.memory_space<semaphore_mem>>) src(%dma_wait3A_295 : memref<50x128xi32, #tpu.memory_space<hbm>>) dst(%arg5 : memref<50x128xi32, #tpu.memory_space<vmem>>)
      tpu.yield
    }) : () -> ()
    %dma_start3A = arith.constant 0 : i32
    %dma_start3A_1 = arith.constant 0 : i32
    %dma_start3A_2 = arith.constant 0 : i32
    %dma_start3A_3 = arith.constant 0 : i32
    %dma_start3A_4 = tpu.memref_slice %arg6[%dma_start3A_1, %dma_start3A_2, %dma_start3A_3] : memref<2x128x128xf32, #tpu.memory_space<vmem>> -> memref<1x128x128xf32, #tpu.memory_space<vmem>>
    %dma_start3A_5 = tpu.memref_squeeze %dma_start3A_4 : memref<1x128x128xf32, #tpu.memory_space<vmem>> -> memref<128x128xf32, #tpu.memory_space<vmem>>
    %dma_start3A_6 = arith.constant 0 : i32
    %dma_start3A_7 = tpu.memref_slice %arg5[%dma_start3A, %dma_start3A_6] : memref<50x128xi32, #tpu.memory_space<vmem>> -> memref<1x128xi32, #tpu.memory_space<vmem>>
    %dma_start3A_8 = tpu.memref_squeeze %dma_start3A_7 : memref<1x128xi32, #tpu.memory_space<vmem>> -> memref<128xi32, #tpu.memory_space<vmem>>
    %dma_start3A_9 = arith.constant 0 : i32
    %dma_start3A_10 = arith.constant 0 : i32
    %dma_start3A_11 = tpu.memref_slice %arg3[%dma_start3A_9, %dma_start3A_10] : memref<99999x128xf32, #tpu.memory_space<hbm>> -> memref<99999x128xf32, #tpu.memory_space<hbm>>
    tpu.enqueue_indirect_dma source(%dma_start3A_11 : memref<99999x128xf32, #tpu.memory_space<hbm>>) target(%dma_start3A_5 : memref<128x128xf32, #tpu.memory_space<vmem>>) offsets(%dma_start3A_8 : memref<128xi32, #tpu.memory_space<vmem>>) semaphore(%arg8 : memref<!tpu.dma_semaphore, #tpu.memory_space<semaphore_mem>>)
    %dma_start3A_12 = arith.constant 1 : i32
    %dma_start3A_13 = arith.constant 1 : i32
    %dma_start3A_14 = arith.constant 0 : i32
    %dma_start3A_15 = arith.constant 0 : i32
    %dma_start3A_16 = tpu.memref_slice %arg6[%dma_start3A_13, %dma_start3A_14, %dma_start3A_15] : memref<2x128x128xf32, #tpu.memory_space<vmem>> -> memref<1x128x128xf32, #tpu.memory_space<vmem>>
    %dma_start3A_17 = tpu.memref_squeeze %dma_start3A_16 : memref<1x128x128xf32, #tpu.memory_space<vmem>> -> memref<128x128xf32, #tpu.memory_space<vmem>>
    %dma_start3A_18 = arith.constant 0 : i32
    %dma_start3A_19 = tpu.memref_slice %arg5[%dma_start3A_12, %dma_start3A_18] : memref<50x128xi32, #tpu.memory_space<vmem>> -> memref<1x128xi32, #tpu.memory_space<vmem>>
    %dma_start3A_20 = tpu.memref_squeeze %dma_start3A_19 : memref<1x128xi32, #tpu.memory_space<vmem>> -> memref<128xi32, #tpu.memory_space<vmem>>
    %dma_start3A_21 = arith.constant 0 : i32
    %dma_start3A_22 = arith.constant 0 : i32
    %dma_start3A_23 = tpu.memref_slice %arg3[%dma_start3A_21, %dma_start3A_22] : memref<99999x128xf32, #tpu.memory_space<hbm>> -> memref<99999x128xf32, #tpu.memory_space<hbm>>
    tpu.enqueue_indirect_dma source(%dma_start3A_23 : memref<99999x128xf32, #tpu.memory_space<hbm>>) target(%dma_start3A_17 : memref<128x128xf32, #tpu.memory_space<vmem>>) offsets(%dma_start3A_20 : memref<128xi32, #tpu.memory_space<vmem>>) semaphore(%arg9 : memref<!tpu.dma_semaphore, #tpu.memory_space<semaphore_mem>>)
    %dma_wait3A = arith.constant 0 : i32
    %dma_wait3A_24 = arith.constant 0 : i32
    %dma_wait3A_25 = arith.constant 0 : i32
    %dma_wait3A_26 = arith.constant 0 : i32
    %dma_wait3A_27 = tpu.memref_slice %arg6[%dma_wait3A_24, %dma_wait3A_25, %dma_wait3A_26] : memref<2x128x128xf32, #tpu.memory_space<vmem>> -> memref<1x128x128xf32, #tpu.memory_space<vmem>>
    %dma_wait3A_28 = tpu.memref_squeeze %dma_wait3A_27 : memref<1x128x128xf32, #tpu.memory_space<vmem>> -> memref<128x128xf32, #tpu.memory_space<vmem>>
    %dma_wait3A_29 = arith.constant 0 : i32
    %dma_wait3A_30 = tpu.memref_slice %arg5[%dma_wait3A, %dma_wait3A_29] : memref<50x128xi32, #tpu.memory_space<vmem>> -> memref<1x128xi32, #tpu.memory_space<vmem>>
    %dma_wait3A_31 = tpu.memref_squeeze %dma_wait3A_30 : memref<1x128xi32, #tpu.memory_space<vmem>> -> memref<128xi32, #tpu.memory_space<vmem>>
    %dma_wait3A_32 = arith.constant 0 : i32
    %dma_wait3A_33 = arith.constant 0 : i32
    %dma_wait3A_34 = tpu.memref_slice %arg3[%dma_wait3A_32, %dma_wait3A_33] : memref<99999x128xf32, #tpu.memory_space<hbm>> -> memref<99999x128xf32, #tpu.memory_space<hbm>>
    tpu.wait_indirect_dma semaphore(%arg8 : memref<!tpu.dma_semaphore, #tpu.memory_space<semaphore_mem>>) src(%dma_wait3A_34 : memref<99999x128xf32, #tpu.memory_space<hbm>>) dst(%dma_wait3A_28 : memref<128x128xf32, #tpu.memory_space<vmem>>)
    %scan3A = arith.constant 0 : i32
    %scan3A_35 = arith.constant 0 : i32
    %scan3A_36 = arith.constant 128 : i32
    %scan3A_37 = arith.addi %scan3A_35, %scan3A_36 : i32
    %scan3A_38 = arith.constant 1 : i32
    scf.for %scan3A_280 = %scan3A_35 to %scan3A_37 step %scan3A_38  : i32 {
      %get3A = arith.constant 0 : i32
      %get3A_281 = arith.index_cast %get3A : i32 to index
      %get3A_282 = arith.index_cast %scan3A_280 : i32 to index
      %get3A_283 = arith.constant 0 : index
      %get3A_284 = tpu.vector_load %arg6[%get3A_281, %get3A_282, %get3A_283] {strides = array<i32>} : memref<2x128x128xf32, #tpu.memory_space<vmem>>, vector<1x1x16xf32>,
      %get3A_285 = vector.shape_cast %get3A_284 : vector<1x1x16xf32> to vector<16xf32>
      %mul3A_286 = arith.constant 11.3137083 : f32
      %mul3A_287 = vector.broadcast %mul3A_286 : f32 to vector<16xf32>
      %mul3A_288 = arith.mulf %get3A_285, %mul3A_287 : vector<16xf32>
      %swap3A = arith.constant 0 : i32
      %swap3A_289 = arith.index_cast %swap3A : i32 to index
      %swap3A_290 = arith.index_cast %scan3A_280 : i32 to index
      %swap3A_291 = arith.constant 0 : index
      %swap3A_292 = tpu.vector_load %arg7[%swap3A_289, %swap3A_290, %swap3A_291] {strides = array<i32>} : memref<2x128x128xf32, #tpu.memory_space<vmem>>, vector<1x1x16xf32>,
      %swap3A_293 = vector.shape_cast %swap3A_292 : vector<1x1x16xf32> to vector<16xf32>
      %swap3A_294 = vector.shape_cast %mul3A_288 : vector<16xf32> to vector<1x1x16xf32>
      tpu.vector_store %arg7[%swap3A_289, %swap3A_290, %swap3A_291], %swap3A_294 {strides = array<i32>} : memref<2x128x128xf32, #tpu.memory_space<vmem>>, vector<1x1x16xf32>,
      %get3A_295 = arith.constant 0 : i32
      %get3A_296 = arith.index_cast %get3A_295 : i32 to index
      %get3A_297 = arith.index_cast %scan3A_280 : i32 to index
      %get3A_298 = arith.constant 16 : index
      %get3A_299 = tpu.vector_load %arg6[%get3A_296, %get3A_297, %get3A_298] {strides = array<i32>} : memref<2x128x128xf32, #tpu.memory_space<vmem>>, vector<1x1x16xf32>,
      %get3A_300 = vector.shape_cast %get3A_299 : vector<1x1x16xf32> to vector<16xf32>
      %mul3A_301 = arith.constant 11.3137083 : f32
      %mul3A_302 = vector.broadcast %mul3A_301 : f32 to vector<16xf32>
      %mul3A_303 = arith.mulf %get3A_300, %mul3A_302 : vector<16xf32>
      %swap3A_304 = arith.constant 0 : i32
      %swap3A_305 = arith.index_cast %swap3A_304 : i32 to index
      %swap3A_306 = arith.index_cast %scan3A_280 : i32 to index
      %swap3A_307 = arith.constant 16 : index
      %swap3A_308 = tpu.vector_load %arg7[%swap3A_305, %swap3A_306, %swap3A_307] {strides = array<i32>} : memref<2x128x128xf32, #tpu.memory_space<vmem>>, vector<1x1x16xf32>,
      %swap3A_309 = vector.shape_cast %swap3A_308 : vector<1x1x16xf32> to vector<16xf32>
      %swap3A_310 = vector.shape_cast %mul3A_303 : vector<16xf32> to vector<1x1x16xf32>
      tpu.vector_store %arg7[%swap3A_305, %swap3A_306, %swap3A_307], %swap3A_310 {strides = array<i32>} : memref<2x128x128xf32, #tpu.memory_space<vmem>>, vector<1x1x16xf32>,
      %get3A_311 = arith.constant 0 : i32
      %get3A_312 = arith.index_cast %get3A_311 : i32 to index
      %get3A_313 = arith.index_cast %scan3A_280 : i32 to index
      %get3A_314 = arith.constant 32 : index
      %get3A_315 = tpu.vector_load %arg6[%get3A_312, %get3A_313, %get3A_314] {strides = array<i32>} : memref<2x128x128xf32, #tpu.memory_space<vmem>>, vector<1x1x16xf32>,
      %get3A_316 = vector.shape_cast %get3A_315 : vector<1x1x16xf32> to vector<16xf32>
      %mul3A_317 = arith.constant 11.3137083 : f32
      %mul3A_318 = vector.broadcast %mul3A_317 : f32 to vector<16xf32>
      %mul3A_319 = arith.mulf %get3A_316, %mul3A_318 : vector<16xf32>
      %swap3A_320 = arith.constant 0 : i32
      %swap3A_321 = arith.index_cast %swap3A_320 : i32 to index
      %swap3A_322 = arith.index_cast %scan3A_280 : i32 to index
      %swap3A_323 = arith.constant 32 : index
      %swap3A_324 = tpu.vector_load %arg7[%swap3A_321, %swap3A_322, %swap3A_323] {strides = array<i32>} : memref<2x128x128xf32, #tpu.memory_space<vmem>>, vector<1x1x16xf32>,
      %swap3A_325 = vector.shape_cast %swap3A_324 : vector<1x1x16xf32> to vector<16xf32>
      %swap3A_326 = vector.shape_cast %mul3A_319 : vector<16xf32> to vector<1x1x16xf32>
      tpu.vector_store %arg7[%swap3A_321, %swap3A_322, %swap3A_323], %swap3A_326 {strides = array<i32>} : memref<2x128x128xf32, #tpu.memory_space<vmem>>, vector<1x1x16xf32>,
      %get3A_327 = arith.constant 0 : i32
      %get3A_328 = arith.index_cast %get3A_327 : i32 to index
      %get3A_329 = arith.index_cast %scan3A_280 : i32 to index
      %get3A_330 = arith.constant 48 : index
      %get3A_331 = tpu.vector_load %arg6[%get3A_328, %get3A_329, %get3A_330] {strides = array<i32>} : memref<2x128x128xf32, #tpu.memory_space<vmem>>, vector<1x1x16xf32>,
      %get3A_332 = vector.shape_cast %get3A_331 : vector<1x1x16xf32> to vector<16xf32>
      %mul3A_333 = arith.constant 11.3137083 : f32
      %mul3A_334 = vector.broadcast %mul3A_333 : f32 to vector<16xf32>
      %mul3A_335 = arith.mulf %get3A_332, %mul3A_334 : vector<16xf32>
      %swap3A_336 = arith.constant 0 : i32
      %swap3A_337 = arith.index_cast %swap3A_336 : i32 to index
      %swap3A_338 = arith.index_cast %scan3A_280 : i32 to index
      %swap3A_339 = arith.constant 48 : index
      %swap3A_340 = tpu.vector_load %arg7[%swap3A_337, %swap3A_338, %swap3A_339] {strides = array<i32>} : memref<2x128x128xf32, #tpu.memory_space<vmem>>, vector<1x1x16xf32>,
      %swap3A_341 = vector.shape_cast %swap3A_340 : vector<1x1x16xf32> to vector<16xf32>
      %swap3A_342 = vector.shape_cast %mul3A_335 : vector<16xf32> to vector<1x1x16xf32>
      tpu.vector_store %arg7[%swap3A_337, %swap3A_338, %swap3A_339], %swap3A_342 {strides = array<i32>} : memref<2x128x128xf32, #tpu.memory_space<vmem>>, vector<1x1x16xf32>,
      %get3A_343 = arith.constant 0 : i32
      %get3A_344 = arith.index_cast %get3A_343 : i32 to index
      %get3A_345 = arith.index_cast %scan3A_280 : i32 to index
      %get3A_346 = arith.constant 64 : index
      %get3A_347 = tpu.vector_load %arg6[%get3A_344, %get3A_345, %get3A_346] {strides = array<i32>} : memref<2x128x128xf32, #tpu.memory_space<vmem>>, vector<1x1x16xf32>,
      %get3A_348 = vector.shape_cast %get3A_347 : vector<1x1x16xf32> to vector<16xf32>
      %mul3A_349 = arith.constant 11.3137083 : f32
      %mul3A_350 = vector.broadcast %mul3A_349 : f32 to vector<16xf32>
      %mul3A_351 = arith.mulf %get3A_348, %mul3A_350 : vector<16xf32>
      %swap3A_352 = arith.constant 0 : i32
      %swap3A_353 = arith.index_cast %swap3A_352 : i32 to index
      %swap3A_354 = arith.index_cast %scan3A_280 : i32 to index
      %swap3A_355 = arith.constant 64 : index
      %swap3A_356 = tpu.vector_load %arg7[%swap3A_353, %swap3A_354, %swap3A_355] {strides = array<i32>} : memref<2x128x128xf32, #tpu.memory_space<vmem>>, vector<1x1x16xf32>,
      %swap3A_357 = vector.shape_cast %swap3A_356 : vector<1x1x16xf32> to vector<16xf32>
      %swap3A_358 = vector.shape_cast %mul3A_351 : vector<16xf32> to vector<1x1x16xf32>
      tpu.vector_store %arg7[%swap3A_353, %swap3A_354, %swap3A_355], %swap3A_358 {strides = array<i32>} : memref<2x128x128xf32, #tpu.memory_space<vmem>>, vector<1x1x16xf32>,
      %get3A_359 = arith.constant 0 : i32
      %get3A_360 = arith.index_cast %get3A_359 : i32 to index
      %get3A_361 = arith.index_cast %scan3A_280 : i32 to index
      %get3A_362 = arith.constant 80 : index
      %get3A_363 = tpu.vector_load %arg6[%get3A_360, %get3A_361, %get3A_362] {strides = array<i32>} : memref<2x128x128xf32, #tpu.memory_space<vmem>>, vector<1x1x16xf32>,
      %get3A_364 = vector.shape_cast %get3A_363 : vector<1x1x16xf32> to vector<16xf32>
      %mul3A_365 = arith.constant 11.3137083 : f32
      %mul3A_366 = vector.broadcast %mul3A_365 : f32 to vector<16xf32>
      %mul3A_367 = arith.mulf %get3A_364, %mul3A_366 : vector<16xf32>
      %swap3A_368 = arith.constant 0 : i32
      %swap3A_369 = arith.index_cast %swap3A_368 : i32 to index
      %swap3A_370 = arith.index_cast %scan3A_280 : i32 to index
      %swap3A_371 = arith.constant 80 : index
      %swap3A_372 = tpu.vector_load %arg7[%swap3A_369, %swap3A_370, %swap3A_371] {strides = array<i32>} : memref<2x128x128xf32, #tpu.memory_space<vmem>>, vector<1x1x16xf32>,
      %swap3A_373 = vector.shape_cast %swap3A_372 : vector<1x1x16xf32> to vector<16xf32>
      %swap3A_374 = vector.shape_cast %mul3A_367 : vector<16xf32> to vector<1x1x16xf32>
      tpu.vector_store %arg7[%swap3A_369, %swap3A_370, %swap3A_371], %swap3A_374 {strides = array<i32>} : memref<2x128x128xf32, #tpu.memory_space<vmem>>, vector<1x1x16xf32>,
      %get3A_375 = arith.constant 0 : i32
      %get3A_376 = arith.index_cast %get3A_375 : i32 to index
      %get3A_377 = arith.index_cast %scan3A_280 : i32 to index
      %get3A_378 = arith.constant 96 : index
      %get3A_379 = tpu.vector_load %arg6[%get3A_376, %get3A_377, %get3A_378] {strides = array<i32>} : memref<2x128x128xf32, #tpu.memory_space<vmem>>, vector<1x1x16xf32>,
      %get3A_380 = vector.shape_cast %get3A_379 : vector<1x1x16xf32> to vector<16xf32>
      %mul3A_381 = arith.constant 11.3137083 : f32
      %mul3A_382 = vector.broadcast %mul3A_381 : f32 to vector<16xf32>
      %mul3A_383 = arith.mulf %get3A_380, %mul3A_382 : vector<16xf32>
      %swap3A_384 = arith.constant 0 : i32
      %swap3A_385 = arith.index_cast %swap3A_384 : i32 to index
      %swap3A_386 = arith.index_cast %scan3A_280 : i32 to index
      %swap3A_387 = arith.constant 96 : index
      %swap3A_388 = tpu.vector_load %arg7[%swap3A_385, %swap3A_386, %swap3A_387] {strides = array<i32>} : memref<2x128x128xf32, #tpu.memory_space<vmem>>, vector<1x1x16xf32>,
      %swap3A_389 = vector.shape_cast %swap3A_388 : vector<1x1x16xf32> to vector<16xf32>
      %swap3A_390 = vector.shape_cast %mul3A_383 : vector<16xf32> to vector<1x1x16xf32>
      tpu.vector_store %arg7[%swap3A_385, %swap3A_386, %swap3A_387], %swap3A_390 {strides = array<i32>} : memref<2x128x128xf32, #tpu.memory_space<vmem>>, vector<1x1x16xf32>,
      %get3A_391 = arith.constant 0 : i32
      %get3A_392 = arith.index_cast %get3A_391 : i32 to index
      %get3A_393 = arith.index_cast %scan3A_280 : i32 to index
      %get3A_394 = arith.constant 112 : index
      %get3A_395 = tpu.vector_load %arg6[%get3A_392, %get3A_393, %get3A_394] {strides = array<i32>} : memref<2x128x128xf32, #tpu.memory_space<vmem>>, vector<1x1x16xf32>,
      %get3A_396 = vector.shape_cast %get3A_395 : vector<1x1x16xf32> to vector<16xf32>
      %mul3A_397 = arith.constant 11.3137083 : f32
      %mul3A_398 = vector.broadcast %mul3A_397 : f32 to vector<16xf32>
      %mul3A_399 = arith.mulf %get3A_396, %mul3A_398 : vector<16xf32>
      %swap3A_400 = arith.constant 0 : i32
      %swap3A_401 = arith.index_cast %swap3A_400 : i32 to index
      %swap3A_402 = arith.index_cast %scan3A_280 : i32 to index
      %swap3A_403 = arith.constant 112 : index
      %swap3A_404 = tpu.vector_load %arg7[%swap3A_401, %swap3A_402, %swap3A_403] {strides = array<i32>} : memref<2x128x128xf32, #tpu.memory_space<vmem>>, vector<1x1x16xf32>,
      %swap3A_405 = vector.shape_cast %swap3A_404 : vector<1x1x16xf32> to vector<16xf32>
      %swap3A_406 = vector.shape_cast %mul3A_399 : vector<16xf32> to vector<1x1x16xf32>
      tpu.vector_store %arg7[%swap3A_401, %swap3A_402, %swap3A_403], %swap3A_406 {strides = array<i32>} : memref<2x128x128xf32, #tpu.memory_space<vmem>>, vector<1x1x16xf32>,
    }
    %scan3A_39 = arith.constant 128 : i32
    %dma_start3A_40 = arith.constant 2 : i32
    %dma_start3A_41 = arith.constant 0 : i32
    %dma_start3A_42 = arith.constant 0 : i32
    %dma_start3A_43 = arith.constant 0 : i32
    %dma_start3A_44 = tpu.memref_slice %arg6[%dma_start3A_41, %dma_start3A_42, %dma_start3A_43] : memref<2x128x128xf32, #tpu.memory_space<vmem>> -> memref<1x128x128xf32, #tpu.memory_space<vmem>>
    %dma_start3A_45 = tpu.memref_squeeze %dma_start3A_44 : memref<1x128x128xf32, #tpu.memory_space<vmem>> -> memref<128x128xf32, #tpu.memory_space<vmem>>
    %dma_start3A_46 = arith.constant 0 : i32
    %dma_start3A_47 = tpu.memref_slice %arg5[%dma_start3A_40, %dma_start3A_46] : memref<50x128xi32, #tpu.memory_space<vmem>> -> memref<1x128xi32, #tpu.memory_space<vmem>>
    %dma_start3A_48 = tpu.memref_squeeze %dma_start3A_47 : memref<1x128xi32, #tpu.memory_space<vmem>> -> memref<128xi32, #tpu.memory_space<vmem>>
    %dma_start3A_49 = arith.constant 0 : i32
    %dma_start3A_50 = arith.constant 0 : i32
    %dma_start3A_51 = tpu.memref_slice %arg3[%dma_start3A_49, %dma_start3A_50] : memref<99999x128xf32, #tpu.memory_space<hbm>> -> memref<99999x128xf32, #tpu.memory_space<hbm>>
    tpu.enqueue_indirect_dma source(%dma_start3A_51 : memref<99999x128xf32, #tpu.memory_space<hbm>>) target(%dma_start3A_45 : memref<128x128xf32, #tpu.memory_space<vmem>>) offsets(%dma_start3A_48 : memref<128xi32, #tpu.memory_space<vmem>>) semaphore(%arg8 : memref<!tpu.dma_semaphore, #tpu.memory_space<semaphore_mem>>)
    %mul3A_52 = arith.constant 50 : i32
    %mul3A_53 = arith.muli %add3A, %mul3A_52 : i32
    %add3A_54 = arith.constant 0 : i32
    %add3A_55 = arith.addi %mul3A_53, %add3A_54 : i32
    %dma_start3A_56 = arith.constant 0 : i32
    %dma_start3A_57 = arith.constant 0 : i32
    %dma_start3A_58 = arith.constant 0 : i32
    %dma_start3A_59 = tpu.memref_slice %arg7[%dma_start3A_56, %dma_start3A_57, %dma_start3A_58] : memref<2x128x128xf32, #tpu.memory_space<vmem>> -> memref<1x128x128xf32, #tpu.memory_space<vmem>>
    %dma_start3A_60 = tpu.memref_squeeze %dma_start3A_59 : memref<1x128x128xf32, #tpu.memory_space<vmem>> -> memref<128x128xf32, #tpu.memory_space<vmem>>
    %dma_start3A_61 = arith.constant 0 : i32
    %dma_start3A_62 = arith.constant 0 : i32
    %dma_start3A_63 = tpu.memref_slice %arg4[%add3A_55, %dma_start3A_61, %dma_start3A_62] : memref<1600x128x128xf32, #tpu.memory_space<hbm>> -> memref<1x128x128xf32, #tpu.memory_space<hbm>>
    %dma_start3A_64 = tpu.memref_squeeze %dma_start3A_63 : memref<1x128x128xf32, #tpu.memory_space<hbm>> -> memref<128x128xf32, #tpu.memory_space<hbm>>
    %dma_start3A_65 = arith.constant 0 : i32
    %dma_start3A_66 = arith.constant 0 : i32
    %dma_start3A_67 = tpu.memref_slice %arg4[%add3A_55, %dma_start3A_65, %dma_start3A_66] : memref<1600x128x128xf32, #tpu.memory_space<hbm>> -> memref<1x128x128xf32, #tpu.memory_space<hbm>>
    %dma_start3A_68 = tpu.memref_squeeze %dma_start3A_67 : memref<1x128x128xf32, #tpu.memory_space<hbm>> -> memref<128x128xf32, #tpu.memory_space<hbm>>
    %dma_start3A_69 = arith.constant 0 : i32
    %dma_start3A_70 = arith.constant 0 : i32
    %dma_start3A_71 = tpu.memref_slice %arg7[%dma_start3A_56, %dma_start3A_69, %dma_start3A_70] : memref<2x128x128xf32, #tpu.memory_space<vmem>> -> memref<1x128x128xf32, #tpu.memory_space<vmem>>
    %dma_start3A_72 = tpu.memref_squeeze %dma_start3A_71 : memref<1x128x128xf32, #tpu.memory_space<vmem>> -> memref<128x128xf32, #tpu.memory_space<vmem>>
    tpu.enqueue_dma source(%dma_start3A_72 : memref<128x128xf32, #tpu.memory_space<vmem>>) target(%dma_start3A_68 : memref<128x128xf32, #tpu.memory_space<hbm>>) target_semaphore(%arg10 : memref<!tpu.dma_semaphore, #tpu.memory_space<semaphore_mem>>)
    %dma_wait3A_73 = arith.constant 1 : i32
    %dma_wait3A_74 = arith.constant 1 : i32
    %dma_wait3A_75 = arith.constant 0 : i32
    %dma_wait3A_76 = arith.constant 0 : i32
    %dma_wait3A_77 = tpu.memref_slice %arg6[%dma_wait3A_74, %dma_wait3A_75, %dma_wait3A_76] : memref<2x128x128xf32, #tpu.memory_space<vmem>> -> memref<1x128x128xf32, #tpu.memory_space<vmem>>
    %dma_wait3A_78 = tpu.memref_squeeze %dma_wait3A_77 : memref<1x128x128xf32, #tpu.memory_space<vmem>> -> memref<128x128xf32, #tpu.memory_space<vmem>>
    %dma_wait3A_79 = arith.constant 0 : i32
    %dma_wait3A_80 = tpu.memref_slice %arg5[%dma_wait3A_73, %dma_wait3A_79] : memref<50x128xi32, #tpu.memory_space<vmem>> -> memref<1x128xi32, #tpu.memory_space<vmem>>
    %dma_wait3A_81 = tpu.memref_squeeze %dma_wait3A_80 : memref<1x128xi32, #tpu.memory_space<vmem>> -> memref<128xi32, #tpu.memory_space<vmem>>
    %dma_wait3A_82 = arith.constant 0 : i32
    %dma_wait3A_83 = arith.constant 0 : i32
    %dma_wait3A_84 = tpu.memref_slice %arg3[%dma_wait3A_82, %dma_wait3A_83] : memref<99999x128xf32, #tpu.memory_space<hbm>> -> memref<99999x128xf32, #tpu.memory_space<hbm>>
    tpu.wait_indirect_dma semaphore(%arg9 : memref<!tpu.dma_semaphore, #tpu.memory_space<semaphore_mem>>) src(%dma_wait3A_84 : memref<99999x128xf32, #tpu.memory_space<hbm>>) dst(%dma_wait3A_78 : memref<128x128xf32, #tpu.memory_space<vmem>>)
    %scan3A_85 = arith.constant 0 : i32
    %scan3A_86 = arith.constant 0 : i32
    %scan3A_87 = arith.constant 128 : i32
    %scan3A_88 = arith.addi %scan3A_86, %scan3A_87 : i32
    %scan3A_89 = arith.constant 1 : i32
    scf.for %scan3A_280 = %scan3A_86 to %scan3A_88 step %scan3A_89  : i32 {
      %get3A = arith.constant 1 : i32
      %get3A_281 = arith.index_cast %get3A : i32 to index
      %get3A_282 = arith.index_cast %scan3A_280 : i32 to index
      %get3A_283 = arith.constant 0 : index
      %get3A_284 = tpu.vector_load %arg6[%get3A_281, %get3A_282, %get3A_283] {strides = array<i32>} : memref<2x128x128xf32, #tpu.memory_space<vmem>>, vector<1x1x16xf32>,
      %get3A_285 = vector.shape_cast %get3A_284 : vector<1x1x16xf32> to vector<16xf32>
      %mul3A_286 = arith.constant 11.3137083 : f32
      %mul3A_287 = vector.broadcast %mul3A_286 : f32 to vector<16xf32>
      %mul3A_288 = arith.mulf %get3A_285, %mul3A_287 : vector<16xf32>
      %swap3A = arith.constant 1 : i32
      %swap3A_289 = arith.index_cast %swap3A : i32 to index
      %swap3A_290 = arith.index_cast %scan3A_280 : i32 to index
      %swap3A_291 = arith.constant 0 : index
      %swap3A_292 = tpu.vector_load %arg7[%swap3A_289, %swap3A_290, %swap3A_291] {strides = array<i32>} : memref<2x128x128xf32, #tpu.memory_space<vmem>>, vector<1x1x16xf32>,
      %swap3A_293 = vector.shape_cast %swap3A_292 : vector<1x1x16xf32> to vector<16xf32>
      %swap3A_294 = vector.shape_cast %mul3A_288 : vector<16xf32> to vector<1x1x16xf32>
      tpu.vector_store %arg7[%swap3A_289, %swap3A_290, %swap3A_291], %swap3A_294 {strides = array<i32>} : memref<2x128x128xf32, #tpu.memory_space<vmem>>, vector<1x1x16xf32>,
      %get3A_295 = arith.constant 1 : i32
      %get3A_296 = arith.index_cast %get3A_295 : i32 to index
      %get3A_297 = arith.index_cast %scan3A_280 : i32 to index
      %get3A_298 = arith.constant 16 : index
      %get3A_299 = tpu.vector_load %arg6[%get3A_296, %get3A_297, %get3A_298] {strides = array<i32>} : memref<2x128x128xf32, #tpu.memory_space<vmem>>, vector<1x1x16xf32>,
      %get3A_300 = vector.shape_cast %get3A_299 : vector<1x1x16xf32> to vector<16xf32>
      %mul3A_301 = arith.constant 11.3137083 : f32
      %mul3A_302 = vector.broadcast %mul3A_301 : f32 to vector<16xf32>
      %mul3A_303 = arith.mulf %get3A_300, %mul3A_302 : vector<16xf32>
      %swap3A_304 = arith.constant 1 : i32
      %swap3A_305 = arith.index_cast %swap3A_304 : i32 to index
      %swap3A_306 = arith.index_cast %scan3A_280 : i32 to index
      %swap3A_307 = arith.constant 16 : index
      %swap3A_308 = tpu.vector_load %arg7[%swap3A_305, %swap3A_306, %swap3A_307] {strides = array<i32>} : memref<2x128x128xf32, #tpu.memory_space<vmem>>, vector<1x1x16xf32>,
      %swap3A_309 = vector.shape_cast %swap3A_308 : vector<1x1x16xf32> to vector<16xf32>
      %swap3A_310 = vector.shape_cast %mul3A_303 : vector<16xf32> to vector<1x1x16xf32>
      tpu.vector_store %arg7[%swap3A_305, %swap3A_306, %swap3A_307], %swap3A_310 {strides = array<i32>} : memref<2x128x128xf32, #tpu.memory_space<vmem>>, vector<1x1x16xf32>,
      %get3A_311 = arith.constant 1 : i32
      %get3A_312 = arith.index_cast %get3A_311 : i32 to index
      %get3A_313 = arith.index_cast %scan3A_280 : i32 to index
      %get3A_314 = arith.constant 32 : index
      %get3A_315 = tpu.vector_load %arg6[%get3A_312, %get3A_313, %get3A_314] {strides = array<i32>} : memref<2x128x128xf32, #tpu.memory_space<vmem>>, vector<1x1x16xf32>,
      %get3A_316 = vector.shape_cast %get3A_315 : vector<1x1x16xf32> to vector<16xf32>
      %mul3A_317 = arith.constant 11.3137083 : f32
      %mul3A_318 = vector.broadcast %mul3A_317 : f32 to vector<16xf32>
      %mul3A_319 = arith.mulf %get3A_316, %mul3A_318 : vector<16xf32>
      %swap3A_320 = arith.constant 1 : i32
      %swap3A_321 = arith.index_cast %swap3A_320 : i32 to index
      %swap3A_322 = arith.index_cast %scan3A_280 : i32 to index
      %swap3A_323 = arith.constant 32 : index
      %swap3A_324 = tpu.vector_load %arg7[%swap3A_321, %swap3A_322, %swap3A_323] {strides = array<i32>} : memref<2x128x128xf32, #tpu.memory_space<vmem>>, vector<1x1x16xf32>,
      %swap3A_325 = vector.shape_cast %swap3A_324 : vector<1x1x16xf32> to vector<16xf32>
      %swap3A_326 = vector.shape_cast %mul3A_319 : vector<16xf32> to vector<1x1x16xf32>
      tpu.vector_store %arg7[%swap3A_321, %swap3A_322, %swap3A_323], %swap3A_326 {strides = array<i32>} : memref<2x128x128xf32, #tpu.memory_space<vmem>>, vector<1x1x16xf32>,
      %get3A_327 = arith.constant 1 : i32
      %get3A_328 = arith.index_cast %get3A_327 : i32 to index
      %get3A_329 = arith.index_cast %scan3A_280 : i32 to index
      %get3A_330 = arith.constant 48 : index
      %get3A_331 = tpu.vector_load %arg6[%get3A_328, %get3A_329, %get3A_330] {strides = array<i32>} : memref<2x128x128xf32, #tpu.memory_space<vmem>>, vector<1x1x16xf32>,
      %get3A_332 = vector.shape_cast %get3A_331 : vector<1x1x16xf32> to vector<16xf32>
      %mul3A_333 = arith.constant 11.3137083 : f32
      %mul3A_334 = vector.broadcast %mul3A_333 : f32 to vector<16xf32>
      %mul3A_335 = arith.mulf %get3A_332, %mul3A_334 : vector<16xf32>
      %swap3A_336 = arith.constant 1 : i32
      %swap3A_337 = arith.index_cast %swap3A_336 : i32 to index
      %swap3A_338 = arith.index_cast %scan3A_280 : i32 to index
      %swap3A_339 = arith.constant 48 : index
      %swap3A_340 = tpu.vector_load %arg7[%swap3A_337, %swap3A_338, %swap3A_339] {strides = array<i32>} : memref<2x128x128xf32, #tpu.memory_space<vmem>>, vector<1x1x16xf32>,
      %swap3A_341 = vector.shape_cast %swap3A_340 : vector<1x1x16xf32> to vector<16xf32>
      %swap3A_342 = vector.shape_cast %mul3A_335 : vector<16xf32> to vector<1x1x16xf32>
      tpu.vector_store %arg7[%swap3A_337, %swap3A_338, %swap3A_339], %swap3A_342 {strides = array<i32>} : memref<2x128x128xf32, #tpu.memory_space<vmem>>, vector<1x1x16xf32>,
      %get3A_343 = arith.constant 1 : i32
      %get3A_344 = arith.index_cast %get3A_343 : i32 to index
      %get3A_345 = arith.index_cast %scan3A_280 : i32 to index
      %get3A_346 = arith.constant 64 : index
      %get3A_347 = tpu.vector_load %arg6[%get3A_344, %get3A_345, %get3A_346] {strides = array<i32>} : memref<2x128x128xf32, #tpu.memory_space<vmem>>, vector<1x1x16xf32>,
      %get3A_348 = vector.shape_cast %get3A_347 : vector<1x1x16xf32> to vector<16xf32>
      %mul3A_349 = arith.constant 11.3137083 : f32
      %mul3A_350 = vector.broadcast %mul3A_349 : f32 to vector<16xf32>
      %mul3A_351 = arith.mulf %get3A_348, %mul3A_350 : vector<16xf32>
      %swap3A_352 = arith.constant 1 : i32
      %swap3A_353 = arith.index_cast %swap3A_352 : i32 to index
      %swap3A_354 = arith.index_cast %scan3A_280 : i32 to index
      %swap3A_355 = arith.constant 64 : index
      %swap3A_356 = tpu.vector_load %arg7[%swap3A_353, %swap3A_354, %swap3A_355] {strides = array<i32>} : memref<2x128x128xf32, #tpu.memory_space<vmem>>, vector<1x1x16xf32>,
      %swap3A_357 = vector.shape_cast %swap3A_356 : vector<1x1x16xf32> to vector<16xf32>
      %swap3A_358 = vector.shape_cast %mul3A_351 : vector<16xf32> to vector<1x1x16xf32>
      tpu.vector_store %arg7[%swap3A_353, %swap3A_354, %swap3A_355], %swap3A_358 {strides = array<i32>} : memref<2x128x128xf32, #tpu.memory_space<vmem>>, vector<1x1x16xf32>,
      %get3A_359 = arith.constant 1 : i32
      %get3A_360 = arith.index_cast %get3A_359 : i32 to index
      %get3A_361 = arith.index_cast %scan3A_280 : i32 to index
      %get3A_362 = arith.constant 80 : index
      %get3A_363 = tpu.vector_load %arg6[%get3A_360, %get3A_361, %get3A_362] {strides = array<i32>} : memref<2x128x128xf32, #tpu.memory_space<vmem>>, vector<1x1x16xf32>,
      %get3A_364 = vector.shape_cast %get3A_363 : vector<1x1x16xf32> to vector<16xf32>
      %mul3A_365 = arith.constant 11.3137083 : f32
      %mul3A_366 = vector.broadcast %mul3A_365 : f32 to vector<16xf32>
      %mul3A_367 = arith.mulf %get3A_364, %mul3A_366 : vector<16xf32>
      %swap3A_368 = arith.constant 1 : i32
      %swap3A_369 = arith.index_cast %swap3A_368 : i32 to index
      %swap3A_370 = arith.index_cast %scan3A_280 : i32 to index
      %swap3A_371 = arith.constant 80 : index
      %swap3A_372 = tpu.vector_load %arg7[%swap3A_369, %swap3A_370, %swap3A_371] {strides = array<i32>} : memref<2x128x128xf32, #tpu.memory_space<vmem>>, vector<1x1x16xf32>,
      %swap3A_373 = vector.shape_cast %swap3A_372 : vector<1x1x16xf32> to vector<16xf32>
      %swap3A_374 = vector.shape_cast %mul3A_367 : vector<16xf32> to vector<1x1x16xf32>
      tpu.vector_store %arg7[%swap3A_369, %swap3A_370, %swap3A_371], %swap3A_374 {strides = array<i32>} : memref<2x128x128xf32, #tpu.memory_space<vmem>>, vector<1x1x16xf32>,
      %get3A_375 = arith.constant 1 : i32
      %get3A_376 = arith.index_cast %get3A_375 : i32 to index
      %get3A_377 = arith.index_cast %scan3A_280 : i32 to index
      %get3A_378 = arith.constant 96 : index
      %get3A_379 = tpu.vector_load %arg6[%get3A_376, %get3A_377, %get3A_378] {strides = array<i32>} : memref<2x128x128xf32, #tpu.memory_space<vmem>>, vector<1x1x16xf32>,
      %get3A_380 = vector.shape_cast %get3A_379 : vector<1x1x16xf32> to vector<16xf32>
      %mul3A_381 = arith.constant 11.3137083 : f32
      %mul3A_382 = vector.broadcast %mul3A_381 : f32 to vector<16xf32>
      %mul3A_383 = arith.mulf %get3A_380, %mul3A_382 : vector<16xf32>
      %swap3A_384 = arith.constant 1 : i32
      %swap3A_385 = arith.index_cast %swap3A_384 : i32 to index
      %swap3A_386 = arith.index_cast %scan3A_280 : i32 to index
      %swap3A_387 = arith.constant 96 : index
      %swap3A_388 = tpu.vector_load %arg7[%swap3A_385, %swap3A_386, %swap3A_387] {strides = array<i32>} : memref<2x128x128xf32, #tpu.memory_space<vmem>>, vector<1x1x16xf32>,
      %swap3A_389 = vector.shape_cast %swap3A_388 : vector<1x1x16xf32> to vector<16xf32>
      %swap3A_390 = vector.shape_cast %mul3A_383 : vector<16xf32> to vector<1x1x16xf32>
      tpu.vector_store %arg7[%swap3A_385, %swap3A_386, %swap3A_387], %swap3A_390 {strides = array<i32>} : memref<2x128x128xf32, #tpu.memory_space<vmem>>, vector<1x1x16xf32>,
      %get3A_391 = arith.constant 1 : i32
      %get3A_392 = arith.index_cast %get3A_391 : i32 to index
      %get3A_393 = arith.index_cast %scan3A_280 : i32 to index
      %get3A_394 = arith.constant 112 : index
      %get3A_395 = tpu.vector_load %arg6[%get3A_392, %get3A_393, %get3A_394] {strides = array<i32>} : memref<2x128x128xf32, #tpu.memory_space<vmem>>, vector<1x1x16xf32>,
      %get3A_396 = vector.shape_cast %get3A_395 : vector<1x1x16xf32> to vector<16xf32>
      %mul3A_397 = arith.constant 11.3137083 : f32
      %mul3A_398 = vector.broadcast %mul3A_397 : f32 to vector<16xf32>
      %mul3A_399 = arith.mulf %get3A_396, %mul3A_398 : vector<16xf32>
      %swap3A_400 = arith.constant 1 : i32
      %swap3A_401 = arith.index_cast %swap3A_400 : i32 to index
      %swap3A_402 = arith.index_cast %scan3A_280 : i32 to index
      %swap3A_403 = arith.constant 112 : index
      %swap3A_404 = tpu.vector_load %arg7[%swap3A_401, %swap3A_402, %swap3A_403] {strides = array<i32>} : memref<2x128x128xf32, #tpu.memory_space<vmem>>, vector<1x1x16xf32>,
      %swap3A_405 = vector.shape_cast %swap3A_404 : vector<1x1x16xf32> to vector<16xf32>
      %swap3A_406 = vector.shape_cast %mul3A_399 : vector<16xf32> to vector<1x1x16xf32>
      tpu.vector_store %arg7[%swap3A_401, %swap3A_402, %swap3A_403], %swap3A_406 {strides = array<i32>} : memref<2x128x128xf32, #tpu.memory_space<vmem>>, vector<1x1x16xf32>,
    }
    %scan3A_90 = arith.constant 128 : i32
    %dma_start3A_91 = arith.constant 3 : i32
    %dma_start3A_92 = arith.constant 1 : i32
    %dma_start3A_93 = arith.constant 0 : i32
    %dma_start3A_94 = arith.constant 0 : i32
    %dma_start3A_95 = tpu.memref_slice %arg6[%dma_start3A_92, %dma_start3A_93, %dma_start3A_94] : memref<2x128x128xf32, #tpu.memory_space<vmem>> -> memref<1x128x128xf32, #tpu.memory_space<vmem>>
    %dma_start3A_96 = tpu.memref_squeeze %dma_start3A_95 : memref<1x128x128xf32, #tpu.memory_space<vmem>> -> memref<128x128xf32, #tpu.memory_space<vmem>>
    %dma_start3A_97 = arith.constant 0 : i32
    %dma_start3A_98 = tpu.memref_slice %arg5[%dma_start3A_91, %dma_start3A_97] : memref<50x128xi32, #tpu.memory_space<vmem>> -> memref<1x128xi32, #tpu.memory_space<vmem>>
    %dma_start3A_99 = tpu.memref_squeeze %dma_start3A_98 : memref<1x128xi32, #tpu.memory_space<vmem>> -> memref<128xi32, #tpu.memory_space<vmem>>
    %dma_start3A_100 = arith.constant 0 : i32
    %dma_start3A_101 = arith.constant 0 : i32
    %dma_start3A_102 = tpu.memref_slice %arg3[%dma_start3A_100, %dma_start3A_101] : memref<99999x128xf32, #tpu.memory_space<hbm>> -> memref<99999x128xf32, #tpu.memory_space<hbm>>
    tpu.enqueue_indirect_dma source(%dma_start3A_102 : memref<99999x128xf32, #tpu.memory_space<hbm>>) target(%dma_start3A_96 : memref<128x128xf32, #tpu.memory_space<vmem>>) offsets(%dma_start3A_99 : memref<128xi32, #tpu.memory_space<vmem>>) semaphore(%arg9 : memref<!tpu.dma_semaphore, #tpu.memory_space<semaphore_mem>>)
    %mul3A_103 = arith.constant 50 : i32
    %mul3A_104 = arith.muli %add3A, %mul3A_103 : i32
    %add3A_105 = arith.constant 1 : i32
    %add3A_106 = arith.addi %mul3A_104, %add3A_105 : i32
    %dma_start3A_107 = arith.constant 1 : i32
    %dma_start3A_108 = arith.constant 0 : i32
    %dma_start3A_109 = arith.constant 0 : i32
    %dma_start3A_110 = tpu.memref_slice %arg7[%dma_start3A_107, %dma_start3A_108, %dma_start3A_109] : memref<2x128x128xf32, #tpu.memory_space<vmem>> -> memref<1x128x128xf32, #tpu.memory_space<vmem>>
    %dma_start3A_111 = tpu.memref_squeeze %dma_start3A_110 : memref<1x128x128xf32, #tpu.memory_space<vmem>> -> memref<128x128xf32, #tpu.memory_space<vmem>>
    %dma_start3A_112 = arith.constant 0 : i32
    %dma_start3A_113 = arith.constant 0 : i32
    %dma_start3A_114 = tpu.memref_slice %arg4[%add3A_106, %dma_start3A_112, %dma_start3A_113] : memref<1600x128x128xf32, #tpu.memory_space<hbm>> -> memref<1x128x128xf32, #tpu.memory_space<hbm>>
    %dma_start3A_115 = tpu.memref_squeeze %dma_start3A_114 : memref<1x128x128xf32, #tpu.memory_space<hbm>> -> memref<128x128xf32, #tpu.memory_space<hbm>>
    %dma_start3A_116 = arith.constant 0 : i32
    %dma_start3A_117 = arith.constant 0 : i32
    %dma_start3A_118 = tpu.memref_slice %arg4[%add3A_106, %dma_start3A_116, %dma_start3A_117] : memref<1600x128x128xf32, #tpu.memory_space<hbm>> -> memref<1x128x128xf32, #tpu.memory_space<hbm>>
    %dma_start3A_119 = tpu.memref_squeeze %dma_start3A_118 : memref<1x128x128xf32, #tpu.memory_space<hbm>> -> memref<128x128xf32, #tpu.memory_space<hbm>>
    %dma_start3A_120 = arith.constant 0 : i32
    %dma_start3A_121 = arith.constant 0 : i32
    %dma_start3A_122 = tpu.memref_slice %arg7[%dma_start3A_107, %dma_start3A_120, %dma_start3A_121] : memref<2x128x128xf32, #tpu.memory_space<vmem>> -> memref<1x128x128xf32, #tpu.memory_space<vmem>>
    %dma_start3A_123 = tpu.memref_squeeze %dma_start3A_122 : memref<1x128x128xf32, #tpu.memory_space<vmem>> -> memref<128x128xf32, #tpu.memory_space<vmem>>
    tpu.enqueue_dma source(%dma_start3A_123 : memref<128x128xf32, #tpu.memory_space<vmem>>) target(%dma_start3A_119 : memref<128x128xf32, #tpu.memory_space<hbm>>) target_semaphore(%arg11 : memref<!tpu.dma_semaphore, #tpu.memory_space<semaphore_mem>>)
    %scan3A_124 = arith.constant 0 : i32
    %scan3A_125 = arith.constant 1 : i32
    %scan3A_126 = arith.constant 23 : i32
    %scan3A_127 = arith.addi %scan3A_125, %scan3A_126 : i32
    %scan3A_128 = arith.constant 1 : i32
    scf.for %scan3A_280 = %scan3A_125 to %scan3A_127 step %scan3A_128  : i32 {
      %mul3A_281 = arith.constant 2 : i32
      %mul3A_282 = arith.muli %scan3A_280, %mul3A_281 : i32
      %add3A_283 = arith.constant 0 : i32
      %add3A_284 = arith.addi %mul3A_282, %add3A_283 : i32
      %dma_wait3A_285 = arith.constant 0 : i32
      %dma_wait3A_286 = arith.constant 0 : i32
      %dma_wait3A_287 = arith.constant 0 : i32
      %dma_wait3A_288 = tpu.memref_slice %arg6[%dma_wait3A_285, %dma_wait3A_286, %dma_wait3A_287] : memref<2x128x128xf32, #tpu.memory_space<vmem>> -> memref<1x128x128xf32, #tpu.memory_space<vmem>>
      %dma_wait3A_289 = tpu.memref_squeeze %dma_wait3A_288 : memref<1x128x128xf32, #tpu.memory_space<vmem>> -> memref<128x128xf32, #tpu.memory_space<vmem>>
      %dma_wait3A_290 = arith.constant 0 : i32
      %dma_wait3A_291 = tpu.memref_slice %arg5[%add3A_284, %dma_wait3A_290] : memref<50x128xi32, #tpu.memory_space<vmem>> -> memref<1x128xi32, #tpu.memory_space<vmem>>
      %dma_wait3A_292 = tpu.memref_squeeze %dma_wait3A_291 : memref<1x128xi32, #tpu.memory_space<vmem>> -> memref<128xi32, #tpu.memory_space<vmem>>
      %dma_wait3A_293 = arith.constant 0 : i32
      %dma_wait3A_294 = arith.constant 0 : i32
      %dma_wait3A_295 = tpu.memref_slice %arg3[%dma_wait3A_293, %dma_wait3A_294] : memref<99999x128xf32, #tpu.memory_space<hbm>> -> memref<99999x128xf32, #tpu.memory_space<hbm>>
      tpu.wait_indirect_dma semaphore(%arg8 : memref<!tpu.dma_semaphore, #tpu.memory_space<semaphore_mem>>) src(%dma_wait3A_295 : memref<99999x128xf32, #tpu.memory_space<hbm>>) dst(%dma_wait3A_289 : memref<128x128xf32, #tpu.memory_space<vmem>>)
      %dma_wait3A_296 = arith.constant 0 : i32
      %dma_wait3A_297 = arith.constant 0 : i32
      %dma_wait3A_298 = arith.constant 0 : i32
      %dma_wait3A_299 = arith.constant 0 : i32
      %dma_wait3A_300 = tpu.memref_slice %arg7[%dma_wait3A_296, %dma_wait3A_298, %dma_wait3A_299] : memref<2x128x128xf32, #tpu.memory_space<vmem>> -> memref<1x128x128xf32, #tpu.memory_space<vmem>>
      %dma_wait3A_301 = tpu.memref_squeeze %dma_wait3A_300 : memref<1x128x128xf32, #tpu.memory_space<vmem>> -> memref<128x128xf32, #tpu.memory_space<vmem>>
      %dma_wait3A_302 = arith.constant 0 : i32
      %dma_wait3A_303 = arith.constant 0 : i32
      %dma_wait3A_304 = tpu.memref_slice %arg4[%dma_wait3A_297, %dma_wait3A_302, %dma_wait3A_303] : memref<1600x128x128xf32, #tpu.memory_space<hbm>> -> memref<1x128x128xf32, #tpu.memory_space<hbm>>
      %dma_wait3A_305 = tpu.memref_squeeze %dma_wait3A_304 : memref<1x128x128xf32, #tpu.memory_space<hbm>> -> memref<128x128xf32, #tpu.memory_space<hbm>>
      %dma_wait3A_306 = arith.constant 0 : i32
      %dma_wait3A_307 = arith.constant 0 : i32
      %dma_wait3A_308 = tpu.memref_slice %arg4[%dma_wait3A_297, %dma_wait3A_306, %dma_wait3A_307] : memref<1600x128x128xf32, #tpu.memory_space<hbm>> -> memref<1x128x128xf32, #tpu.memory_space<hbm>>
      %dma_wait3A_309 = tpu.memref_squeeze %dma_wait3A_308 : memref<1x128x128xf32, #tpu.memory_space<hbm>> -> memref<128x128xf32, #tpu.memory_space<hbm>>
      %dma_wait3A_310 = arith.constant 0 : i32
      %dma_wait3A_311 = arith.constant 0 : i32
      %dma_wait3A_312 = tpu.memref_slice %arg7[%dma_wait3A_296, %dma_wait3A_310, %dma_wait3A_311] : memref<2x128x128xf32, #tpu.memory_space<vmem>> -> memref<1x128x128xf32, #tpu.memory_space<vmem>>
      %dma_wait3A_313 = tpu.memref_squeeze %dma_wait3A_312 : memref<1x128x128xf32, #tpu.memory_space<vmem>> -> memref<128x128xf32, #tpu.memory_space<vmem>>
      tpu.wait_dma2 semaphore(%arg10 : memref<!tpu.dma_semaphore, #tpu.memory_space<semaphore_mem>>) src(%dma_wait3A_313 : memref<128x128xf32, #tpu.memory_space<vmem>>) dst(%dma_wait3A_309 : memref<128x128xf32, #tpu.memory_space<hbm>>)
      %scan3A_314 = arith.constant 0 : i32
      %scan3A_315 = arith.constant 0 : i32
      %scan3A_316 = arith.constant 128 : i32
      %scan3A_317 = arith.addi %scan3A_315, %scan3A_316 : i32
      %scan3A_318 = arith.constant 1 : i32
      scf.for %scan3A_425 = %scan3A_315 to %scan3A_317 step %scan3A_318  : i32 {
        %get3A = arith.constant 0 : i32
        %get3A_426 = arith.index_cast %get3A : i32 to index
        %get3A_427 = arith.index_cast %scan3A_425 : i32 to index
        %get3A_428 = arith.constant 0 : index
        %get3A_429 = tpu.vector_load %arg6[%get3A_426, %get3A_427, %get3A_428] {strides = array<i32>} : memref<2x128x128xf32, #tpu.memory_space<vmem>>, vector<1x1x16xf32>,
        %get3A_430 = vector.shape_cast %get3A_429 : vector<1x1x16xf32> to vector<16xf32>
        %mul3A_431 = arith.constant 11.3137083 : f32
        %mul3A_432 = vector.broadcast %mul3A_431 : f32 to vector<16xf32>
        %mul3A_433 = arith.mulf %get3A_430, %mul3A_432 : vector<16xf32>
        %swap3A = arith.constant 0 : i32
        %swap3A_434 = arith.index_cast %swap3A : i32 to index
        %swap3A_435 = arith.index_cast %scan3A_425 : i32 to index
        %swap3A_436 = arith.constant 0 : index
        %swap3A_437 = tpu.vector_load %arg7[%swap3A_434, %swap3A_435, %swap3A_436] {strides = array<i32>} : memref<2x128x128xf32, #tpu.memory_space<vmem>>, vector<1x1x16xf32>,
        %swap3A_438 = vector.shape_cast %swap3A_437 : vector<1x1x16xf32> to vector<16xf32>
        %swap3A_439 = vector.shape_cast %mul3A_433 : vector<16xf32> to vector<1x1x16xf32>
        tpu.vector_store %arg7[%swap3A_434, %swap3A_435, %swap3A_436], %swap3A_439 {strides = array<i32>} : memref<2x128x128xf32, #tpu.memory_space<vmem>>, vector<1x1x16xf32>,
        %get3A_440 = arith.constant 0 : i32
        %get3A_441 = arith.index_cast %get3A_440 : i32 to index
        %get3A_442 = arith.index_cast %scan3A_425 : i32 to index
        %get3A_443 = arith.constant 16 : index
        %get3A_444 = tpu.vector_load %arg6[%get3A_441, %get3A_442, %get3A_443] {strides = array<i32>} : memref<2x128x128xf32, #tpu.memory_space<vmem>>, vector<1x1x16xf32>,
        %get3A_445 = vector.shape_cast %get3A_444 : vector<1x1x16xf32> to vector<16xf32>
        %mul3A_446 = arith.constant 11.3137083 : f32
        %mul3A_447 = vector.broadcast %mul3A_446 : f32 to vector<16xf32>
        %mul3A_448 = arith.mulf %get3A_445, %mul3A_447 : vector<16xf32>
        %swap3A_449 = arith.constant 0 : i32
        %swap3A_450 = arith.index_cast %swap3A_449 : i32 to index
        %swap3A_451 = arith.index_cast %scan3A_425 : i32 to index
        %swap3A_452 = arith.constant 16 : index
        %swap3A_453 = tpu.vector_load %arg7[%swap3A_450, %swap3A_451, %swap3A_452] {strides = array<i32>} : memref<2x128x128xf32, #tpu.memory_space<vmem>>, vector<1x1x16xf32>,
        %swap3A_454 = vector.shape_cast %swap3A_453 : vector<1x1x16xf32> to vector<16xf32>
        %swap3A_455 = vector.shape_cast %mul3A_448 : vector<16xf32> to vector<1x1x16xf32>
        tpu.vector_store %arg7[%swap3A_450, %swap3A_451, %swap3A_452], %swap3A_455 {strides = array<i32>} : memref<2x128x128xf32, #tpu.memory_space<vmem>>, vector<1x1x16xf32>,
        %get3A_456 = arith.constant 0 : i32
        %get3A_457 = arith.index_cast %get3A_456 : i32 to index
        %get3A_458 = arith.index_cast %scan3A_425 : i32 to index
        %get3A_459 = arith.constant 32 : index
        %get3A_460 = tpu.vector_load %arg6[%get3A_457, %get3A_458, %get3A_459] {strides = array<i32>} : memref<2x128x128xf32, #tpu.memory_space<vmem>>, vector<1x1x16xf32>,
        %get3A_461 = vector.shape_cast %get3A_460 : vector<1x1x16xf32> to vector<16xf32>
        %mul3A_462 = arith.constant 11.3137083 : f32
        %mul3A_463 = vector.broadcast %mul3A_462 : f32 to vector<16xf32>
        %mul3A_464 = arith.mulf %get3A_461, %mul3A_463 : vector<16xf32>
        %swap3A_465 = arith.constant 0 : i32
        %swap3A_466 = arith.index_cast %swap3A_465 : i32 to index
        %swap3A_467 = arith.index_cast %scan3A_425 : i32 to index
        %swap3A_468 = arith.constant 32 : index
        %swap3A_469 = tpu.vector_load %arg7[%swap3A_466, %swap3A_467, %swap3A_468] {strides = array<i32>} : memref<2x128x128xf32, #tpu.memory_space<vmem>>, vector<1x1x16xf32>,
        %swap3A_470 = vector.shape_cast %swap3A_469 : vector<1x1x16xf32> to vector<16xf32>
        %swap3A_471 = vector.shape_cast %mul3A_464 : vector<16xf32> to vector<1x1x16xf32>
        tpu.vector_store %arg7[%swap3A_466, %swap3A_467, %swap3A_468], %swap3A_471 {strides = array<i32>} : memref<2x128x128xf32, #tpu.memory_space<vmem>>, vector<1x1x16xf32>,
        %get3A_472 = arith.constant 0 : i32
        %get3A_473 = arith.index_cast %get3A_472 : i32 to index
        %get3A_474 = arith.index_cast %scan3A_425 : i32 to index
        %get3A_475 = arith.constant 48 : index
        %get3A_476 = tpu.vector_load %arg6[%get3A_473, %get3A_474, %get3A_475] {strides = array<i32>} : memref<2x128x128xf32, #tpu.memory_space<vmem>>, vector<1x1x16xf32>,
        %get3A_477 = vector.shape_cast %get3A_476 : vector<1x1x16xf32> to vector<16xf32>
        %mul3A_478 = arith.constant 11.3137083 : f32
        %mul3A_479 = vector.broadcast %mul3A_478 : f32 to vector<16xf32>
        %mul3A_480 = arith.mulf %get3A_477, %mul3A_479 : vector<16xf32>
        %swap3A_481 = arith.constant 0 : i32
        %swap3A_482 = arith.index_cast %swap3A_481 : i32 to index
        %swap3A_483 = arith.index_cast %scan3A_425 : i32 to index
        %swap3A_484 = arith.constant 48 : index
        %swap3A_485 = tpu.vector_load %arg7[%swap3A_482, %swap3A_483, %swap3A_484] {strides = array<i32>} : memref<2x128x128xf32, #tpu.memory_space<vmem>>, vector<1x1x16xf32>,
        %swap3A_486 = vector.shape_cast %swap3A_485 : vector<1x1x16xf32> to vector<16xf32>
        %swap3A_487 = vector.shape_cast %mul3A_480 : vector<16xf32> to vector<1x1x16xf32>
        tpu.vector_store %arg7[%swap3A_482, %swap3A_483, %swap3A_484], %swap3A_487 {strides = array<i32>} : memref<2x128x128xf32, #tpu.memory_space<vmem>>, vector<1x1x16xf32>,
        %get3A_488 = arith.constant 0 : i32
        %get3A_489 = arith.index_cast %get3A_488 : i32 to index
        %get3A_490 = arith.index_cast %scan3A_425 : i32 to index
        %get3A_491 = arith.constant 64 : index
        %get3A_492 = tpu.vector_load %arg6[%get3A_489, %get3A_490, %get3A_491] {strides = array<i32>} : memref<2x128x128xf32, #tpu.memory_space<vmem>>, vector<1x1x16xf32>,
        %get3A_493 = vector.shape_cast %get3A_492 : vector<1x1x16xf32> to vector<16xf32>
        %mul3A_494 = arith.constant 11.3137083 : f32
        %mul3A_495 = vector.broadcast %mul3A_494 : f32 to vector<16xf32>
        %mul3A_496 = arith.mulf %get3A_493, %mul3A_495 : vector<16xf32>
        %swap3A_497 = arith.constant 0 : i32
        %swap3A_498 = arith.index_cast %swap3A_497 : i32 to index
        %swap3A_499 = arith.index_cast %scan3A_425 : i32 to index
        %swap3A_500 = arith.constant 64 : index
        %swap3A_501 = tpu.vector_load %arg7[%swap3A_498, %swap3A_499, %swap3A_500] {strides = array<i32>} : memref<2x128x128xf32, #tpu.memory_space<vmem>>, vector<1x1x16xf32>,
        %swap3A_502 = vector.shape_cast %swap3A_501 : vector<1x1x16xf32> to vector<16xf32>
        %swap3A_503 = vector.shape_cast %mul3A_496 : vector<16xf32> to vector<1x1x16xf32>
        tpu.vector_store %arg7[%swap3A_498, %swap3A_499, %swap3A_500], %swap3A_503 {strides = array<i32>} : memref<2x128x128xf32, #tpu.memory_space<vmem>>, vector<1x1x16xf32>,
        %get3A_504 = arith.constant 0 : i32
        %get3A_505 = arith.index_cast %get3A_504 : i32 to index
        %get3A_506 = arith.index_cast %scan3A_425 : i32 to index
        %get3A_507 = arith.constant 80 : index
        %get3A_508 = tpu.vector_load %arg6[%get3A_505, %get3A_506, %get3A_507] {strides = array<i32>} : memref<2x128x128xf32, #tpu.memory_space<vmem>>, vector<1x1x16xf32>,
        %get3A_509 = vector.shape_cast %get3A_508 : vector<1x1x16xf32> to vector<16xf32>
        %mul3A_510 = arith.constant 11.3137083 : f32
        %mul3A_511 = vector.broadcast %mul3A_510 : f32 to vector<16xf32>
        %mul3A_512 = arith.mulf %get3A_509, %mul3A_511 : vector<16xf32>
        %swap3A_513 = arith.constant 0 : i32
        %swap3A_514 = arith.index_cast %swap3A_513 : i32 to index
        %swap3A_515 = arith.index_cast %scan3A_425 : i32 to index
        %swap3A_516 = arith.constant 80 : index
        %swap3A_517 = tpu.vector_load %arg7[%swap3A_514, %swap3A_515, %swap3A_516] {strides = array<i32>} : memref<2x128x128xf32, #tpu.memory_space<vmem>>, vector<1x1x16xf32>,
        %swap3A_518 = vector.shape_cast %swap3A_517 : vector<1x1x16xf32> to vector<16xf32>
        %swap3A_519 = vector.shape_cast %mul3A_512 : vector<16xf32> to vector<1x1x16xf32>
        tpu.vector_store %arg7[%swap3A_514, %swap3A_515, %swap3A_516], %swap3A_519 {strides = array<i32>} : memref<2x128x128xf32, #tpu.memory_space<vmem>>, vector<1x1x16xf32>,
        %get3A_520 = arith.constant 0 : i32
        %get3A_521 = arith.index_cast %get3A_520 : i32 to index
        %get3A_522 = arith.index_cast %scan3A_425 : i32 to index
        %get3A_523 = arith.constant 96 : index
        %get3A_524 = tpu.vector_load %arg6[%get3A_521, %get3A_522, %get3A_523] {strides = array<i32>} : memref<2x128x128xf32, #tpu.memory_space<vmem>>, vector<1x1x16xf32>,
        %get3A_525 = vector.shape_cast %get3A_524 : vector<1x1x16xf32> to vector<16xf32>
        %mul3A_526 = arith.constant 11.3137083 : f32
        %mul3A_527 = vector.broadcast %mul3A_526 : f32 to vector<16xf32>
        %mul3A_528 = arith.mulf %get3A_525, %mul3A_527 : vector<16xf32>
        %swap3A_529 = arith.constant 0 : i32
        %swap3A_530 = arith.index_cast %swap3A_529 : i32 to index
        %swap3A_531 = arith.index_cast %scan3A_425 : i32 to index
        %swap3A_532 = arith.constant 96 : index
        %swap3A_533 = tpu.vector_load %arg7[%swap3A_530, %swap3A_531, %swap3A_532] {strides = array<i32>} : memref<2x128x128xf32, #tpu.memory_space<vmem>>, vector<1x1x16xf32>,
        %swap3A_534 = vector.shape_cast %swap3A_533 : vector<1x1x16xf32> to vector<16xf32>
        %swap3A_535 = vector.shape_cast %mul3A_528 : vector<16xf32> to vector<1x1x16xf32>
        tpu.vector_store %arg7[%swap3A_530, %swap3A_531, %swap3A_532], %swap3A_535 {strides = array<i32>} : memref<2x128x128xf32, #tpu.memory_space<vmem>>, vector<1x1x16xf32>,
        %get3A_536 = arith.constant 0 : i32
        %get3A_537 = arith.index_cast %get3A_536 : i32 to index
        %get3A_538 = arith.index_cast %scan3A_425 : i32 to index
        %get3A_539 = arith.constant 112 : index
        %get3A_540 = tpu.vector_load %arg6[%get3A_537, %get3A_538, %get3A_539] {strides = array<i32>} : memref<2x128x128xf32, #tpu.memory_space<vmem>>, vector<1x1x16xf32>,
        %get3A_541 = vector.shape_cast %get3A_540 : vector<1x1x16xf32> to vector<16xf32>
        %mul3A_542 = arith.constant 11.3137083 : f32
        %mul3A_543 = vector.broadcast %mul3A_542 : f32 to vector<16xf32>
        %mul3A_544 = arith.mulf %get3A_541, %mul3A_543 : vector<16xf32>
        %swap3A_545 = arith.constant 0 : i32
        %swap3A_546 = arith.index_cast %swap3A_545 : i32 to index
        %swap3A_547 = arith.index_cast %scan3A_425 : i32 to index
        %swap3A_548 = arith.constant 112 : index
        %swap3A_549 = tpu.vector_load %arg7[%swap3A_546, %swap3A_547, %swap3A_548] {strides = array<i32>} : memref<2x128x128xf32, #tpu.memory_space<vmem>>, vector<1x1x16xf32>,
        %swap3A_550 = vector.shape_cast %swap3A_549 : vector<1x1x16xf32> to vector<16xf32>
        %swap3A_551 = vector.shape_cast %mul3A_544 : vector<16xf32> to vector<1x1x16xf32>
        tpu.vector_store %arg7[%swap3A_546, %swap3A_547, %swap3A_548], %swap3A_551 {strides = array<i32>} : memref<2x128x128xf32, #tpu.memory_space<vmem>>, vector<1x1x16xf32>,
      }
      %scan3A_319 = arith.constant 128 : i32
      %add3A_320 = arith.constant 2 : i32
      %add3A_321 = arith.addi %add3A_284, %add3A_320 : i32
      %dma_start3A_322 = arith.constant 0 : i32
      %dma_start3A_323 = arith.constant 0 : i32
      %dma_start3A_324 = arith.constant 0 : i32
      %dma_start3A_325 = tpu.memref_slice %arg6[%dma_start3A_322, %dma_start3A_323, %dma_start3A_324] : memref<2x128x128xf32, #tpu.memory_space<vmem>> -> memref<1x128x128xf32, #tpu.memory_space<vmem>>
      %dma_start3A_326 = tpu.memref_squeeze %dma_start3A_325 : memref<1x128x128xf32, #tpu.memory_space<vmem>> -> memref<128x128xf32, #tpu.memory_space<vmem>>
      %dma_start3A_327 = arith.constant 0 : i32
      %dma_start3A_328 = tpu.memref_slice %arg5[%add3A_321, %dma_start3A_327] : memref<50x128xi32, #tpu.memory_space<vmem>> -> memref<1x128xi32, #tpu.memory_space<vmem>>
      %dma_start3A_329 = tpu.memref_squeeze %dma_start3A_328 : memref<1x128xi32, #tpu.memory_space<vmem>> -> memref<128xi32, #tpu.memory_space<vmem>>
      %dma_start3A_330 = arith.constant 0 : i32
      %dma_start3A_331 = arith.constant 0 : i32
      %dma_start3A_332 = tpu.memref_slice %arg3[%dma_start3A_330, %dma_start3A_331] : memref<99999x128xf32, #tpu.memory_space<hbm>> -> memref<99999x128xf32, #tpu.memory_space<hbm>>
      tpu.enqueue_indirect_dma source(%dma_start3A_332 : memref<99999x128xf32, #tpu.memory_space<hbm>>) target(%dma_start3A_326 : memref<128x128xf32, #tpu.memory_space<vmem>>) offsets(%dma_start3A_329 : memref<128xi32, #tpu.memory_space<vmem>>) semaphore(%arg8 : memref<!tpu.dma_semaphore, #tpu.memory_space<semaphore_mem>>)
      %mul3A_333 = arith.constant 50 : i32
      %mul3A_334 = arith.muli %add3A, %mul3A_333 : i32
      %add3A_335 = arith.addi %mul3A_334, %add3A_284 : i32
      %dma_start3A_336 = arith.constant 0 : i32
      %dma_start3A_337 = arith.constant 0 : i32
      %dma_start3A_338 = arith.constant 0 : i32
      %dma_start3A_339 = tpu.memref_slice %arg7[%dma_start3A_336, %dma_start3A_337, %dma_start3A_338] : memref<2x128x128xf32, #tpu.memory_space<vmem>> -> memref<1x128x128xf32, #tpu.memory_space<vmem>>
      %dma_start3A_340 = tpu.memref_squeeze %dma_start3A_339 : memref<1x128x128xf32, #tpu.memory_space<vmem>> -> memref<128x128xf32, #tpu.memory_space<vmem>>
      %dma_start3A_341 = arith.constant 0 : i32
      %dma_start3A_342 = arith.constant 0 : i32
      %dma_start3A_343 = tpu.memref_slice %arg4[%add3A_335, %dma_start3A_341, %dma_start3A_342] : memref<1600x128x128xf32, #tpu.memory_space<hbm>> -> memref<1x128x128xf32, #tpu.memory_space<hbm>>
      %dma_start3A_344 = tpu.memref_squeeze %dma_start3A_343 : memref<1x128x128xf32, #tpu.memory_space<hbm>> -> memref<128x128xf32, #tpu.memory_space<hbm>>
      %dma_start3A_345 = arith.constant 0 : i32
      %dma_start3A_346 = arith.constant 0 : i32
      %dma_start3A_347 = tpu.memref_slice %arg4[%add3A_335, %dma_start3A_345, %dma_start3A_346] : memref<1600x128x128xf32, #tpu.memory_space<hbm>> -> memref<1x128x128xf32, #tpu.memory_space<hbm>>
      %dma_start3A_348 = tpu.memref_squeeze %dma_start3A_347 : memref<1x128x128xf32, #tpu.memory_space<hbm>> -> memref<128x128xf32, #tpu.memory_space<hbm>>
      %dma_start3A_349 = arith.constant 0 : i32
      %dma_start3A_350 = arith.constant 0 : i32
      %dma_start3A_351 = tpu.memref_slice %arg7[%dma_start3A_336, %dma_start3A_349, %dma_start3A_350] : memref<2x128x128xf32, #tpu.memory_space<vmem>> -> memref<1x128x128xf32, #tpu.memory_space<vmem>>
      %dma_start3A_352 = tpu.memref_squeeze %dma_start3A_351 : memref<1x128x128xf32, #tpu.memory_space<vmem>> -> memref<128x128xf32, #tpu.memory_space<vmem>>
      tpu.enqueue_dma source(%dma_start3A_352 : memref<128x128xf32, #tpu.memory_space<vmem>>) target(%dma_start3A_348 : memref<128x128xf32, #tpu.memory_space<hbm>>) target_semaphore(%arg10 : memref<!tpu.dma_semaphore, #tpu.memory_space<semaphore_mem>>)
      %mul3A_353 = arith.constant 2 : i32
      %mul3A_354 = arith.muli %scan3A_280, %mul3A_353 : i32
      %add3A_355 = arith.constant 1 : i32
      %add3A_356 = arith.addi %mul3A_354, %add3A_355 : i32
      %dma_wait3A_357 = arith.constant 1 : i32
      %dma_wait3A_358 = arith.constant 0 : i32
      %dma_wait3A_359 = arith.constant 0 : i32
      %dma_wait3A_360 = tpu.memref_slice %arg6[%dma_wait3A_357, %dma_wait3A_358, %dma_wait3A_359] : memref<2x128x128xf32, #tpu.memory_space<vmem>> -> memref<1x128x128xf32, #tpu.memory_space<vmem>>
      %dma_wait3A_361 = tpu.memref_squeeze %dma_wait3A_360 : memref<1x128x128xf32, #tpu.memory_space<vmem>> -> memref<128x128xf32, #tpu.memory_space<vmem>>
      %dma_wait3A_362 = arith.constant 0 : i32
      %dma_wait3A_363 = tpu.memref_slice %arg5[%add3A_356, %dma_wait3A_362] : memref<50x128xi32, #tpu.memory_space<vmem>> -> memref<1x128xi32, #tpu.memory_space<vmem>>
      %dma_wait3A_364 = tpu.memref_squeeze %dma_wait3A_363 : memref<1x128xi32, #tpu.memory_space<vmem>> -> memref<128xi32, #tpu.memory_space<vmem>>
      %dma_wait3A_365 = arith.constant 0 : i32
      %dma_wait3A_366 = arith.constant 0 : i32
      %dma_wait3A_367 = tpu.memref_slice %arg3[%dma_wait3A_365, %dma_wait3A_366] : memref<99999x128xf32, #tpu.memory_space<hbm>> -> memref<99999x128xf32, #tpu.memory_space<hbm>>
      tpu.wait_indirect_dma semaphore(%arg9 : memref<!tpu.dma_semaphore, #tpu.memory_space<semaphore_mem>>) src(%dma_wait3A_367 : memref<99999x128xf32, #tpu.memory_space<hbm>>) dst(%dma_wait3A_361 : memref<128x128xf32, #tpu.memory_space<vmem>>)
      %dma_wait3A_368 = arith.constant 1 : i32
      %dma_wait3A_369 = arith.constant 0 : i32
      %dma_wait3A_370 = arith.constant 0 : i32
      %dma_wait3A_371 = arith.constant 0 : i32
      %dma_wait3A_372 = tpu.memref_slice %arg7[%dma_wait3A_368, %dma_wait3A_370, %dma_wait3A_371] : memref<2x128x128xf32, #tpu.memory_space<vmem>> -> memref<1x128x128xf32, #tpu.memory_space<vmem>>
      %dma_wait3A_373 = tpu.memref_squeeze %dma_wait3A_372 : memref<1x128x128xf32, #tpu.memory_space<vmem>> -> memref<128x128xf32, #tpu.memory_space<vmem>>
      %dma_wait3A_374 = arith.constant 0 : i32
      %dma_wait3A_375 = arith.constant 0 : i32
      %dma_wait3A_376 = tpu.memref_slice %arg4[%dma_wait3A_369, %dma_wait3A_374, %dma_wait3A_375] : memref<1600x128x128xf32, #tpu.memory_space<hbm>> -> memref<1x128x128xf32, #tpu.memory_space<hbm>>
      %dma_wait3A_377 = tpu.memref_squeeze %dma_wait3A_376 : memref<1x128x128xf32, #tpu.memory_space<hbm>> -> memref<128x128xf32, #tpu.memory_space<hbm>>
      %dma_wait3A_378 = arith.constant 0 : i32
      %dma_wait3A_379 = arith.constant 0 : i32
      %dma_wait3A_380 = tpu.memref_slice %arg4[%dma_wait3A_369, %dma_wait3A_378, %dma_wait3A_379] : memref<1600x128x128xf32, #tpu.memory_space<hbm>> -> memref<1x128x128xf32, #tpu.memory_space<hbm>>
      %dma_wait3A_381 = tpu.memref_squeeze %dma_wait3A_380 : memref<1x128x128xf32, #tpu.memory_space<hbm>> -> memref<128x128xf32, #tpu.memory_space<hbm>>
      %dma_wait3A_382 = arith.constant 0 : i32
      %dma_wait3A_383 = arith.constant 0 : i32
      %dma_wait3A_384 = tpu.memref_slice %arg7[%dma_wait3A_368, %dma_wait3A_382, %dma_wait3A_383] : memref<2x128x128xf32, #tpu.memory_space<vmem>> -> memref<1x128x128xf32, #tpu.memory_space<vmem>>
      %dma_wait3A_385 = tpu.memref_squeeze %dma_wait3A_384 : memref<1x128x128xf32, #tpu.memory_space<vmem>> -> memref<128x128xf32, #tpu.memory_space<vmem>>
      tpu.wait_dma2 semaphore(%arg11 : memref<!tpu.dma_semaphore, #tpu.memory_space<semaphore_mem>>) src(%dma_wait3A_385 : memref<128x128xf32, #tpu.memory_space<vmem>>) dst(%dma_wait3A_381 : memref<128x128xf32, #tpu.memory_space<hbm>>)
      %scan3A_386 = arith.constant 0 : i32
      %scan3A_387 = arith.constant 0 : i32
      %scan3A_388 = arith.constant 128 : i32
      %scan3A_389 = arith.addi %scan3A_387, %scan3A_388 : i32
      %scan3A_390 = arith.constant 1 : i32
      scf.for %scan3A_425 = %scan3A_387 to %scan3A_389 step %scan3A_390  : i32 {
        %get3A = arith.constant 1 : i32
        %get3A_426 = arith.index_cast %get3A : i32 to index
        %get3A_427 = arith.index_cast %scan3A_425 : i32 to index
        %get3A_428 = arith.constant 0 : index
        %get3A_429 = tpu.vector_load %arg6[%get3A_426, %get3A_427, %get3A_428] {strides = array<i32>} : memref<2x128x128xf32, #tpu.memory_space<vmem>>, vector<1x1x16xf32>,
        %get3A_430 = vector.shape_cast %get3A_429 : vector<1x1x16xf32> to vector<16xf32>
        %mul3A_431 = arith.constant 11.3137083 : f32
        %mul3A_432 = vector.broadcast %mul3A_431 : f32 to vector<16xf32>
        %mul3A_433 = arith.mulf %get3A_430, %mul3A_432 : vector<16xf32>
        %swap3A = arith.constant 1 : i32
        %swap3A_434 = arith.index_cast %swap3A : i32 to index
        %swap3A_435 = arith.index_cast %scan3A_425 : i32 to index
        %swap3A_436 = arith.constant 0 : index
        %swap3A_437 = tpu.vector_load %arg7[%swap3A_434, %swap3A_435, %swap3A_436] {strides = array<i32>} : memref<2x128x128xf32, #tpu.memory_space<vmem>>, vector<1x1x16xf32>,
        %swap3A_438 = vector.shape_cast %swap3A_437 : vector<1x1x16xf32> to vector<16xf32>
        %swap3A_439 = vector.shape_cast %mul3A_433 : vector<16xf32> to vector<1x1x16xf32>
        tpu.vector_store %arg7[%swap3A_434, %swap3A_435, %swap3A_436], %swap3A_439 {strides = array<i32>} : memref<2x128x128xf32, #tpu.memory_space<vmem>>, vector<1x1x16xf32>,
        %get3A_440 = arith.constant 1 : i32
        %get3A_441 = arith.index_cast %get3A_440 : i32 to index
        %get3A_442 = arith.index_cast %scan3A_425 : i32 to index
        %get3A_443 = arith.constant 16 : index
        %get3A_444 = tpu.vector_load %arg6[%get3A_441, %get3A_442, %get3A_443] {strides = array<i32>} : memref<2x128x128xf32, #tpu.memory_space<vmem>>, vector<1x1x16xf32>,
        %get3A_445 = vector.shape_cast %get3A_444 : vector<1x1x16xf32> to vector<16xf32>
        %mul3A_446 = arith.constant 11.3137083 : f32
        %mul3A_447 = vector.broadcast %mul3A_446 : f32 to vector<16xf32>
        %mul3A_448 = arith.mulf %get3A_445, %mul3A_447 : vector<16xf32>
        %swap3A_449 = arith.constant 1 : i32
        %swap3A_450 = arith.index_cast %swap3A_449 : i32 to index
        %swap3A_451 = arith.index_cast %scan3A_425 : i32 to index
        %swap3A_452 = arith.constant 16 : index
        %swap3A_453 = tpu.vector_load %arg7[%swap3A_450, %swap3A_451, %swap3A_452] {strides = array<i32>} : memref<2x128x128xf32, #tpu.memory_space<vmem>>, vector<1x1x16xf32>,
        %swap3A_454 = vector.shape_cast %swap3A_453 : vector<1x1x16xf32> to vector<16xf32>
        %swap3A_455 = vector.shape_cast %mul3A_448 : vector<16xf32> to vector<1x1x16xf32>
        tpu.vector_store %arg7[%swap3A_450, %swap3A_451, %swap3A_452], %swap3A_455 {strides = array<i32>} : memref<2x128x128xf32, #tpu.memory_space<vmem>>, vector<1x1x16xf32>,
        %get3A_456 = arith.constant 1 : i32
        %get3A_457 = arith.index_cast %get3A_456 : i32 to index
        %get3A_458 = arith.index_cast %scan3A_425 : i32 to index
        %get3A_459 = arith.constant 32 : index
        %get3A_460 = tpu.vector_load %arg6[%get3A_457, %get3A_458, %get3A_459] {strides = array<i32>} : memref<2x128x128xf32, #tpu.memory_space<vmem>>, vector<1x1x16xf32>,
        %get3A_461 = vector.shape_cast %get3A_460 : vector<1x1x16xf32> to vector<16xf32>
        %mul3A_462 = arith.constant 11.3137083 : f32
        %mul3A_463 = vector.broadcast %mul3A_462 : f32 to vector<16xf32>
        %mul3A_464 = arith.mulf %get3A_461, %mul3A_463 : vector<16xf32>
        %swap3A_465 = arith.constant 1 : i32
        %swap3A_466 = arith.index_cast %swap3A_465 : i32 to index
        %swap3A_467 = arith.index_cast %scan3A_425 : i32 to index
        %swap3A_468 = arith.constant 32 : index
        %swap3A_469 = tpu.vector_load %arg7[%swap3A_466, %swap3A_467, %swap3A_468] {strides = array<i32>} : memref<2x128x128xf32, #tpu.memory_space<vmem>>, vector<1x1x16xf32>,
        %swap3A_470 = vector.shape_cast %swap3A_469 : vector<1x1x16xf32> to vector<16xf32>
        %swap3A_471 = vector.shape_cast %mul3A_464 : vector<16xf32> to vector<1x1x16xf32>
        tpu.vector_store %arg7[%swap3A_466, %swap3A_467, %swap3A_468], %swap3A_471 {strides = array<i32>} : memref<2x128x128xf32, #tpu.memory_space<vmem>>, vector<1x1x16xf32>,
        %get3A_472 = arith.constant 1 : i32
        %get3A_473 = arith.index_cast %get3A_472 : i32 to index
        %get3A_474 = arith.index_cast %scan3A_425 : i32 to index
        %get3A_475 = arith.constant 48 : index
        %get3A_476 = tpu.vector_load %arg6[%get3A_473, %get3A_474, %get3A_475] {strides = array<i32>} : memref<2x128x128xf32, #tpu.memory_space<vmem>>, vector<1x1x16xf32>,
        %get3A_477 = vector.shape_cast %get3A_476 : vector<1x1x16xf32> to vector<16xf32>
        %mul3A_478 = arith.constant 11.3137083 : f32
        %mul3A_479 = vector.broadcast %mul3A_478 : f32 to vector<16xf32>
        %mul3A_480 = arith.mulf %get3A_477, %mul3A_479 : vector<16xf32>
        %swap3A_481 = arith.constant 1 : i32
        %swap3A_482 = arith.index_cast %swap3A_481 : i32 to index
        %swap3A_483 = arith.index_cast %scan3A_425 : i32 to index
        %swap3A_484 = arith.constant 48 : index
        %swap3A_485 = tpu.vector_load %arg7[%swap3A_482, %swap3A_483, %swap3A_484] {strides = array<i32>} : memref<2x128x128xf32, #tpu.memory_space<vmem>>, vector<1x1x16xf32>,
        %swap3A_486 = vector.shape_cast %swap3A_485 : vector<1x1x16xf32> to vector<16xf32>
        %swap3A_487 = vector.shape_cast %mul3A_480 : vector<16xf32> to vector<1x1x16xf32>
        tpu.vector_store %arg7[%swap3A_482, %swap3A_483, %swap3A_484], %swap3A_487 {strides = array<i32>} : memref<2x128x128xf32, #tpu.memory_space<vmem>>, vector<1x1x16xf32>,
        %get3A_488 = arith.constant 1 : i32
        %get3A_489 = arith.index_cast %get3A_488 : i32 to index
        %get3A_490 = arith.index_cast %scan3A_425 : i32 to index
        %get3A_491 = arith.constant 64 : index
        %get3A_492 = tpu.vector_load %arg6[%get3A_489, %get3A_490, %get3A_491] {strides = array<i32>} : memref<2x128x128xf32, #tpu.memory_space<vmem>>, vector<1x1x16xf32>,
        %get3A_493 = vector.shape_cast %get3A_492 : vector<1x1x16xf32> to vector<16xf32>
        %mul3A_494 = arith.constant 11.3137083 : f32
        %mul3A_495 = vector.broadcast %mul3A_494 : f32 to vector<16xf32>
        %mul3A_496 = arith.mulf %get3A_493, %mul3A_495 : vector<16xf32>
        %swap3A_497 = arith.constant 1 : i32
        %swap3A_498 = arith.index_cast %swap3A_497 : i32 to index
        %swap3A_499 = arith.index_cast %scan3A_425 : i32 to index
        %swap3A_500 = arith.constant 64 : index
        %swap3A_501 = tpu.vector_load %arg7[%swap3A_498, %swap3A_499, %swap3A_500] {strides = array<i32>} : memref<2x128x128xf32, #tpu.memory_space<vmem>>, vector<1x1x16xf32>,
        %swap3A_502 = vector.shape_cast %swap3A_501 : vector<1x1x16xf32> to vector<16xf32>
        %swap3A_503 = vector.shape_cast %mul3A_496 : vector<16xf32> to vector<1x1x16xf32>
        tpu.vector_store %arg7[%swap3A_498, %swap3A_499, %swap3A_500], %swap3A_503 {strides = array<i32>} : memref<2x128x128xf32, #tpu.memory_space<vmem>>, vector<1x1x16xf32>,
        %get3A_504 = arith.constant 1 : i32
        %get3A_505 = arith.index_cast %get3A_504 : i32 to index
        %get3A_506 = arith.index_cast %scan3A_425 : i32 to index
        %get3A_507 = arith.constant 80 : index
        %get3A_508 = tpu.vector_load %arg6[%get3A_505, %get3A_506, %get3A_507] {strides = array<i32>} : memref<2x128x128xf32, #tpu.memory_space<vmem>>, vector<1x1x16xf32>,
        %get3A_509 = vector.shape_cast %get3A_508 : vector<1x1x16xf32> to vector<16xf32>
        %mul3A_510 = arith.constant 11.3137083 : f32
        %mul3A_511 = vector.broadcast %mul3A_510 : f32 to vector<16xf32>
        %mul3A_512 = arith.mulf %get3A_509, %mul3A_511 : vector<16xf32>
        %swap3A_513 = arith.constant 1 : i32
        %swap3A_514 = arith.index_cast %swap3A_513 : i32 to index
        %swap3A_515 = arith.index_cast %scan3A_425 : i32 to index
        %swap3A_516 = arith.constant 80 : index
        %swap3A_517 = tpu.vector_load %arg7[%swap3A_514, %swap3A_515, %swap3A_516] {strides = array<i32>} : memref<2x128x128xf32, #tpu.memory_space<vmem>>, vector<1x1x16xf32>,
        %swap3A_518 = vector.shape_cast %swap3A_517 : vector<1x1x16xf32> to vector<16xf32>
        %swap3A_519 = vector.shape_cast %mul3A_512 : vector<16xf32> to vector<1x1x16xf32>
        tpu.vector_store %arg7[%swap3A_514, %swap3A_515, %swap3A_516], %swap3A_519 {strides = array<i32>} : memref<2x128x128xf32, #tpu.memory_space<vmem>>, vector<1x1x16xf32>,
        %get3A_520 = arith.constant 1 : i32
        %get3A_521 = arith.index_cast %get3A_520 : i32 to index
        %get3A_522 = arith.index_cast %scan3A_425 : i32 to index
        %get3A_523 = arith.constant 96 : index
        %get3A_524 = tpu.vector_load %arg6[%get3A_521, %get3A_522, %get3A_523] {strides = array<i32>} : memref<2x128x128xf32, #tpu.memory_space<vmem>>, vector<1x1x16xf32>,
        %get3A_525 = vector.shape_cast %get3A_524 : vector<1x1x16xf32> to vector<16xf32>
        %mul3A_526 = arith.constant 11.3137083 : f32
        %mul3A_527 = vector.broadcast %mul3A_526 : f32 to vector<16xf32>
        %mul3A_528 = arith.mulf %get3A_525, %mul3A_527 : vector<16xf32>
        %swap3A_529 = arith.constant 1 : i32
        %swap3A_530 = arith.index_cast %swap3A_529 : i32 to index
        %swap3A_531 = arith.index_cast %scan3A_425 : i32 to index
        %swap3A_532 = arith.constant 96 : index
        %swap3A_533 = tpu.vector_load %arg7[%swap3A_530, %swap3A_531, %swap3A_532] {strides = array<i32>} : memref<2x128x128xf32, #tpu.memory_space<vmem>>, vector<1x1x16xf32>,
        %swap3A_534 = vector.shape_cast %swap3A_533 : vector<1x1x16xf32> to vector<16xf32>
        %swap3A_535 = vector.shape_cast %mul3A_528 : vector<16xf32> to vector<1x1x16xf32>
        tpu.vector_store %arg7[%swap3A_530, %swap3A_531, %swap3A_532], %swap3A_535 {strides = array<i32>} : memref<2x128x128xf32, #tpu.memory_space<vmem>>, vector<1x1x16xf32>,
        %get3A_536 = arith.constant 1 : i32
        %get3A_537 = arith.index_cast %get3A_536 : i32 to index
        %get3A_538 = arith.index_cast %scan3A_425 : i32 to index
        %get3A_539 = arith.constant 112 : index
        %get3A_540 = tpu.vector_load %arg6[%get3A_537, %get3A_538, %get3A_539] {strides = array<i32>} : memref<2x128x128xf32, #tpu.memory_space<vmem>>, vector<1x1x16xf32>,
        %get3A_541 = vector.shape_cast %get3A_540 : vector<1x1x16xf32> to vector<16xf32>
        %mul3A_542 = arith.constant 11.3137083 : f32
        %mul3A_543 = vector.broadcast %mul3A_542 : f32 to vector<16xf32>
        %mul3A_544 = arith.mulf %get3A_541, %mul3A_543 : vector<16xf32>
        %swap3A_545 = arith.constant 1 : i32
        %swap3A_546 = arith.index_cast %swap3A_545 : i32 to index
        %swap3A_547 = arith.index_cast %scan3A_425 : i32 to index
        %swap3A_548 = arith.constant 112 : index
        %swap3A_549 = tpu.vector_load %arg7[%swap3A_546, %swap3A_547, %swap3A_548] {strides = array<i32>} : memref<2x128x128xf32, #tpu.memory_space<vmem>>, vector<1x1x16xf32>,
        %swap3A_550 = vector.shape_cast %swap3A_549 : vector<1x1x16xf32> to vector<16xf32>
        %swap3A_551 = vector.shape_cast %mul3A_544 : vector<16xf32> to vector<1x1x16xf32>
        tpu.vector_store %arg7[%swap3A_546, %swap3A_547, %swap3A_548], %swap3A_551 {strides = array<i32>} : memref<2x128x128xf32, #tpu.memory_space<vmem>>, vector<1x1x16xf32>,
      }
      %scan3A_391 = arith.constant 128 : i32
      %add3A_392 = arith.constant 2 : i32
      %add3A_393 = arith.addi %add3A_356, %add3A_392 : i32
      %dma_start3A_394 = arith.constant 1 : i32
      %dma_start3A_395 = arith.constant 0 : i32
      %dma_start3A_396 = arith.constant 0 : i32
      %dma_start3A_397 = tpu.memref_slice %arg6[%dma_start3A_394, %dma_start3A_395, %dma_start3A_396] : memref<2x128x128xf32, #tpu.memory_space<vmem>> -> memref<1x128x128xf32, #tpu.memory_space<vmem>>
      %dma_start3A_398 = tpu.memref_squeeze %dma_start3A_397 : memref<1x128x128xf32, #tpu.memory_space<vmem>> -> memref<128x128xf32, #tpu.memory_space<vmem>>
      %dma_start3A_399 = arith.constant 0 : i32
      %dma_start3A_400 = tpu.memref_slice %arg5[%add3A_393, %dma_start3A_399] : memref<50x128xi32, #tpu.memory_space<vmem>> -> memref<1x128xi32, #tpu.memory_space<vmem>>
      %dma_start3A_401 = tpu.memref_squeeze %dma_start3A_400 : memref<1x128xi32, #tpu.memory_space<vmem>> -> memref<128xi32, #tpu.memory_space<vmem>>
      %dma_start3A_402 = arith.constant 0 : i32
      %dma_start3A_403 = arith.constant 0 : i32
      %dma_start3A_404 = tpu.memref_slice %arg3[%dma_start3A_402, %dma_start3A_403] : memref<99999x128xf32, #tpu.memory_space<hbm>> -> memref<99999x128xf32, #tpu.memory_space<hbm>>
      tpu.enqueue_indirect_dma source(%dma_start3A_404 : memref<99999x128xf32, #tpu.memory_space<hbm>>) target(%dma_start3A_398 : memref<128x128xf32, #tpu.memory_space<vmem>>) offsets(%dma_start3A_401 : memref<128xi32, #tpu.memory_space<vmem>>) semaphore(%arg9 : memref<!tpu.dma_semaphore, #tpu.memory_space<semaphore_mem>>)
      %mul3A_405 = arith.constant 50 : i32
      %mul3A_406 = arith.muli %add3A, %mul3A_405 : i32
      %add3A_407 = arith.addi %mul3A_406, %add3A_356 : i32
      %dma_start3A_408 = arith.constant 1 : i32
      %dma_start3A_409 = arith.constant 0 : i32
      %dma_start3A_410 = arith.constant 0 : i32
      %dma_start3A_411 = tpu.memref_slice %arg7[%dma_start3A_408, %dma_start3A_409, %dma_start3A_410] : memref<2x128x128xf32, #tpu.memory_space<vmem>> -> memref<1x128x128xf32, #tpu.memory_space<vmem>>
      %dma_start3A_412 = tpu.memref_squeeze %dma_start3A_411 : memref<1x128x128xf32, #tpu.memory_space<vmem>> -> memref<128x128xf32, #tpu.memory_space<vmem>>
      %dma_start3A_413 = arith.constant 0 : i32
      %dma_start3A_414 = arith.constant 0 : i32
      %dma_start3A_415 = tpu.memref_slice %arg4[%add3A_407, %dma_start3A_413, %dma_start3A_414] : memref<1600x128x128xf32, #tpu.memory_space<hbm>> -> memref<1x128x128xf32, #tpu.memory_space<hbm>>
      %dma_start3A_416 = tpu.memref_squeeze %dma_start3A_415 : memref<1x128x128xf32, #tpu.memory_space<hbm>> -> memref<128x128xf32, #tpu.memory_space<hbm>>
      %dma_start3A_417 = arith.constant 0 : i32
      %dma_start3A_418 = arith.constant 0 : i32
      %dma_start3A_419 = tpu.memref_slice %arg4[%add3A_407, %dma_start3A_417, %dma_start3A_418] : memref<1600x128x128xf32, #tpu.memory_space<hbm>> -> memref<1x128x128xf32, #tpu.memory_space<hbm>>
      %dma_start3A_420 = tpu.memref_squeeze %dma_start3A_419 : memref<1x128x128xf32, #tpu.memory_space<hbm>> -> memref<128x128xf32, #tpu.memory_space<hbm>>
      %dma_start3A_421 = arith.constant 0 : i32
      %dma_start3A_422 = arith.constant 0 : i32
      %dma_start3A_423 = tpu.memref_slice %arg7[%dma_start3A_408, %dma_start3A_421, %dma_start3A_422] : memref<2x128x128xf32, #tpu.memory_space<vmem>> -> memref<1x128x128xf32, #tpu.memory_space<vmem>>
      %dma_start3A_424 = tpu.memref_squeeze %dma_start3A_423 : memref<1x128x128xf32, #tpu.memory_space<vmem>> -> memref<128x128xf32, #tpu.memory_space<vmem>>
      tpu.enqueue_dma source(%dma_start3A_424 : memref<128x128xf32, #tpu.memory_space<vmem>>) target(%dma_start3A_420 : memref<128x128xf32, #tpu.memory_space<hbm>>) target_semaphore(%arg11 : memref<!tpu.dma_semaphore, #tpu.memory_space<semaphore_mem>>)
    }
    %scan3A_129 = arith.constant 23 : i32
    %dma_wait3A_130 = arith.constant 48 : i32
    %dma_wait3A_131 = arith.constant 0 : i32
    %dma_wait3A_132 = arith.constant 0 : i32
    %dma_wait3A_133 = arith.constant 0 : i32
    %dma_wait3A_134 = tpu.memref_slice %arg6[%dma_wait3A_131, %dma_wait3A_132, %dma_wait3A_133] : memref<2x128x128xf32, #tpu.memory_space<vmem>> -> memref<1x128x128xf32, #tpu.memory_space<vmem>>
    %dma_wait3A_135 = tpu.memref_squeeze %dma_wait3A_134 : memref<1x128x128xf32, #tpu.memory_space<vmem>> -> memref<128x128xf32, #tpu.memory_space<vmem>>
    %dma_wait3A_136 = arith.constant 0 : i32
    %dma_wait3A_137 = tpu.memref_slice %arg5[%dma_wait3A_130, %dma_wait3A_136] : memref<50x128xi32, #tpu.memory_space<vmem>> -> memref<1x128xi32, #tpu.memory_space<vmem>>
    %dma_wait3A_138 = tpu.memref_squeeze %dma_wait3A_137 : memref<1x128xi32, #tpu.memory_space<vmem>> -> memref<128xi32, #tpu.memory_space<vmem>>
    %dma_wait3A_139 = arith.constant 0 : i32
    %dma_wait3A_140 = arith.constant 0 : i32
    %dma_wait3A_141 = tpu.memref_slice %arg3[%dma_wait3A_139, %dma_wait3A_140] : memref<99999x128xf32, #tpu.memory_space<hbm>> -> memref<99999x128xf32, #tpu.memory_space<hbm>>
    tpu.wait_indirect_dma semaphore(%arg8 : memref<!tpu.dma_semaphore, #tpu.memory_space<semaphore_mem>>) src(%dma_wait3A_141 : memref<99999x128xf32, #tpu.memory_space<hbm>>) dst(%dma_wait3A_135 : memref<128x128xf32, #tpu.memory_space<vmem>>)
    %dma_wait3A_142 = arith.constant 0 : i32
    %dma_wait3A_143 = arith.constant 0 : i32
    %dma_wait3A_144 = arith.constant 0 : i32
    %dma_wait3A_145 = arith.constant 0 : i32
    %dma_wait3A_146 = tpu.memref_slice %arg7[%dma_wait3A_142, %dma_wait3A_144, %dma_wait3A_145] : memref<2x128x128xf32, #tpu.memory_space<vmem>> -> memref<1x128x128xf32, #tpu.memory_space<vmem>>
    %dma_wait3A_147 = tpu.memref_squeeze %dma_wait3A_146 : memref<1x128x128xf32, #tpu.memory_space<vmem>> -> memref<128x128xf32, #tpu.memory_space<vmem>>
    %dma_wait3A_148 = arith.constant 0 : i32
    %dma_wait3A_149 = arith.constant 0 : i32
    %dma_wait3A_150 = tpu.memref_slice %arg4[%dma_wait3A_143, %dma_wait3A_148, %dma_wait3A_149] : memref<1600x128x128xf32, #tpu.memory_space<hbm>> -> memref<1x128x128xf32, #tpu.memory_space<hbm>>
    %dma_wait3A_151 = tpu.memref_squeeze %dma_wait3A_150 : memref<1x128x128xf32, #tpu.memory_space<hbm>> -> memref<128x128xf32, #tpu.memory_space<hbm>>
    %dma_wait3A_152 = arith.constant 0 : i32
    %dma_wait3A_153 = arith.constant 0 : i32
    %dma_wait3A_154 = tpu.memref_slice %arg4[%dma_wait3A_143, %dma_wait3A_152, %dma_wait3A_153] : memref<1600x128x128xf32, #tpu.memory_space<hbm>> -> memref<1x128x128xf32, #tpu.memory_space<hbm>>
    %dma_wait3A_155 = tpu.memref_squeeze %dma_wait3A_154 : memref<1x128x128xf32, #tpu.memory_space<hbm>> -> memref<128x128xf32, #tpu.memory_space<hbm>>
    %dma_wait3A_156 = arith.constant 0 : i32
    %dma_wait3A_157 = arith.constant 0 : i32
    %dma_wait3A_158 = tpu.memref_slice %arg7[%dma_wait3A_142, %dma_wait3A_156, %dma_wait3A_157] : memref<2x128x128xf32, #tpu.memory_space<vmem>> -> memref<1x128x128xf32, #tpu.memory_space<vmem>>
    %dma_wait3A_159 = tpu.memref_squeeze %dma_wait3A_158 : memref<1x128x128xf32, #tpu.memory_space<vmem>> -> memref<128x128xf32, #tpu.memory_space<vmem>>
    tpu.wait_dma2 semaphore(%arg10 : memref<!tpu.dma_semaphore, #tpu.memory_space<semaphore_mem>>) src(%dma_wait3A_159 : memref<128x128xf32, #tpu.memory_space<vmem>>) dst(%dma_wait3A_155 : memref<128x128xf32, #tpu.memory_space<hbm>>)
    %scan3A_160 = arith.constant 0 : i32
    %scan3A_161 = arith.constant 0 : i32
    %scan3A_162 = arith.constant 128 : i32
    %scan3A_163 = arith.addi %scan3A_161, %scan3A_162 : i32
    %scan3A_164 = arith.constant 1 : i32
    scf.for %scan3A_280 = %scan3A_161 to %scan3A_163 step %scan3A_164  : i32 {
      %get3A = arith.constant 0 : i32
      %get3A_281 = arith.index_cast %get3A : i32 to index
      %get3A_282 = arith.index_cast %scan3A_280 : i32 to index
      %get3A_283 = arith.constant 0 : index
      %get3A_284 = tpu.vector_load %arg6[%get3A_281, %get3A_282, %get3A_283] {strides = array<i32>} : memref<2x128x128xf32, #tpu.memory_space<vmem>>, vector<1x1x16xf32>,
      %get3A_285 = vector.shape_cast %get3A_284 : vector<1x1x16xf32> to vector<16xf32>
      %mul3A_286 = arith.constant 11.3137083 : f32
      %mul3A_287 = vector.broadcast %mul3A_286 : f32 to vector<16xf32>
      %mul3A_288 = arith.mulf %get3A_285, %mul3A_287 : vector<16xf32>
      %swap3A = arith.constant 0 : i32
      %swap3A_289 = arith.index_cast %swap3A : i32 to index
      %swap3A_290 = arith.index_cast %scan3A_280 : i32 to index
      %swap3A_291 = arith.constant 0 : index
      %swap3A_292 = tpu.vector_load %arg7[%swap3A_289, %swap3A_290, %swap3A_291] {strides = array<i32>} : memref<2x128x128xf32, #tpu.memory_space<vmem>>, vector<1x1x16xf32>,
      %swap3A_293 = vector.shape_cast %swap3A_292 : vector<1x1x16xf32> to vector<16xf32>
      %swap3A_294 = vector.shape_cast %mul3A_288 : vector<16xf32> to vector<1x1x16xf32>
      tpu.vector_store %arg7[%swap3A_289, %swap3A_290, %swap3A_291], %swap3A_294 {strides = array<i32>} : memref<2x128x128xf32, #tpu.memory_space<vmem>>, vector<1x1x16xf32>,
      %get3A_295 = arith.constant 0 : i32
      %get3A_296 = arith.index_cast %get3A_295 : i32 to index
      %get3A_297 = arith.index_cast %scan3A_280 : i32 to index
      %get3A_298 = arith.constant 16 : index
      %get3A_299 = tpu.vector_load %arg6[%get3A_296, %get3A_297, %get3A_298] {strides = array<i32>} : memref<2x128x128xf32, #tpu.memory_space<vmem>>, vector<1x1x16xf32>,
      %get3A_300 = vector.shape_cast %get3A_299 : vector<1x1x16xf32> to vector<16xf32>
      %mul3A_301 = arith.constant 11.3137083 : f32
      %mul3A_302 = vector.broadcast %mul3A_301 : f32 to vector<16xf32>
      %mul3A_303 = arith.mulf %get3A_300, %mul3A_302 : vector<16xf32>
      %swap3A_304 = arith.constant 0 : i32
      %swap3A_305 = arith.index_cast %swap3A_304 : i32 to index
      %swap3A_306 = arith.index_cast %scan3A_280 : i32 to index
      %swap3A_307 = arith.constant 16 : index
      %swap3A_308 = tpu.vector_load %arg7[%swap3A_305, %swap3A_306, %swap3A_307] {strides = array<i32>} : memref<2x128x128xf32, #tpu.memory_space<vmem>>, vector<1x1x16xf32>,
      %swap3A_309 = vector.shape_cast %swap3A_308 : vector<1x1x16xf32> to vector<16xf32>
      %swap3A_310 = vector.shape_cast %mul3A_303 : vector<16xf32> to vector<1x1x16xf32>
      tpu.vector_store %arg7[%swap3A_305, %swap3A_306, %swap3A_307], %swap3A_310 {strides = array<i32>} : memref<2x128x128xf32, #tpu.memory_space<vmem>>, vector<1x1x16xf32>,
      %get3A_311 = arith.constant 0 : i32
      %get3A_312 = arith.index_cast %get3A_311 : i32 to index
      %get3A_313 = arith.index_cast %scan3A_280 : i32 to index
      %get3A_314 = arith.constant 32 : index
      %get3A_315 = tpu.vector_load %arg6[%get3A_312, %get3A_313, %get3A_314] {strides = array<i32>} : memref<2x128x128xf32, #tpu.memory_space<vmem>>, vector<1x1x16xf32>,
      %get3A_316 = vector.shape_cast %get3A_315 : vector<1x1x16xf32> to vector<16xf32>
      %mul3A_317 = arith.constant 11.3137083 : f32
      %mul3A_318 = vector.broadcast %mul3A_317 : f32 to vector<16xf32>
      %mul3A_319 = arith.mulf %get3A_316, %mul3A_318 : vector<16xf32>
      %swap3A_320 = arith.constant 0 : i32
      %swap3A_321 = arith.index_cast %swap3A_320 : i32 to index
      %swap3A_322 = arith.index_cast %scan3A_280 : i32 to index
      %swap3A_323 = arith.constant 32 : index
      %swap3A_324 = tpu.vector_load %arg7[%swap3A_321, %swap3A_322, %swap3A_323] {strides = array<i32>} : memref<2x128x128xf32, #tpu.memory_space<vmem>>, vector<1x1x16xf32>,
      %swap3A_325 = vector.shape_cast %swap3A_324 : vector<1x1x16xf32> to vector<16xf32>
      %swap3A_326 = vector.shape_cast %mul3A_319 : vector<16xf32> to vector<1x1x16xf32>
      tpu.vector_store %arg7[%swap3A_321, %swap3A_322, %swap3A_323], %swap3A_326 {strides = array<i32>} : memref<2x128x128xf32, #tpu.memory_space<vmem>>, vector<1x1x16xf32>,
      %get3A_327 = arith.constant 0 : i32
      %get3A_328 = arith.index_cast %get3A_327 : i32 to index
      %get3A_329 = arith.index_cast %scan3A_280 : i32 to index
      %get3A_330 = arith.constant 48 : index
      %get3A_331 = tpu.vector_load %arg6[%get3A_328, %get3A_329, %get3A_330] {strides = array<i32>} : memref<2x128x128xf32, #tpu.memory_space<vmem>>, vector<1x1x16xf32>,
      %get3A_332 = vector.shape_cast %get3A_331 : vector<1x1x16xf32> to vector<16xf32>
      %mul3A_333 = arith.constant 11.3137083 : f32
      %mul3A_334 = vector.broadcast %mul3A_333 : f32 to vector<16xf32>
      %mul3A_335 = arith.mulf %get3A_332, %mul3A_334 : vector<16xf32>
      %swap3A_336 = arith.constant 0 : i32
      %swap3A_337 = arith.index_cast %swap3A_336 : i32 to index
      %swap3A_338 = arith.index_cast %scan3A_280 : i32 to index
      %swap3A_339 = arith.constant 48 : index
      %swap3A_340 = tpu.vector_load %arg7[%swap3A_337, %swap3A_338, %swap3A_339] {strides = array<i32>} : memref<2x128x128xf32, #tpu.memory_space<vmem>>, vector<1x1x16xf32>,
      %swap3A_341 = vector.shape_cast %swap3A_340 : vector<1x1x16xf32> to vector<16xf32>
      %swap3A_342 = vector.shape_cast %mul3A_335 : vector<16xf32> to vector<1x1x16xf32>
      tpu.vector_store %arg7[%swap3A_337, %swap3A_338, %swap3A_339], %swap3A_342 {strides = array<i32>} : memref<2x128x128xf32, #tpu.memory_space<vmem>>, vector<1x1x16xf32>,
      %get3A_343 = arith.constant 0 : i32
      %get3A_344 = arith.index_cast %get3A_343 : i32 to index
      %get3A_345 = arith.index_cast %scan3A_280 : i32 to index
      %get3A_346 = arith.constant 64 : index
      %get3A_347 = tpu.vector_load %arg6[%get3A_344, %get3A_345, %get3A_346] {strides = array<i32>} : memref<2x128x128xf32, #tpu.memory_space<vmem>>, vector<1x1x16xf32>,
      %get3A_348 = vector.shape_cast %get3A_347 : vector<1x1x16xf32> to vector<16xf32>
      %mul3A_349 = arith.constant 11.3137083 : f32
      %mul3A_350 = vector.broadcast %mul3A_349 : f32 to vector<16xf32>
      %mul3A_351 = arith.mulf %get3A_348, %mul3A_350 : vector<16xf32>
      %swap3A_352 = arith.constant 0 : i32
      %swap3A_353 = arith.index_cast %swap3A_352 : i32 to index
      %swap3A_354 = arith.index_cast %scan3A_280 : i32 to index
      %swap3A_355 = arith.constant 64 : index
      %swap3A_356 = tpu.vector_load %arg7[%swap3A_353, %swap3A_354, %swap3A_355] {strides = array<i32>} : memref<2x128x128xf32, #tpu.memory_space<vmem>>, vector<1x1x16xf32>,
      %swap3A_357 = vector.shape_cast %swap3A_356 : vector<1x1x16xf32> to vector<16xf32>
      %swap3A_358 = vector.shape_cast %mul3A_351 : vector<16xf32> to vector<1x1x16xf32>
      tpu.vector_store %arg7[%swap3A_353, %swap3A_354, %swap3A_355], %swap3A_358 {strides = array<i32>} : memref<2x128x128xf32, #tpu.memory_space<vmem>>, vector<1x1x16xf32>,
      %get3A_359 = arith.constant 0 : i32
      %get3A_360 = arith.index_cast %get3A_359 : i32 to index
      %get3A_361 = arith.index_cast %scan3A_280 : i32 to index
      %get3A_362 = arith.constant 80 : index
      %get3A_363 = tpu.vector_load %arg6[%get3A_360, %get3A_361, %get3A_362] {strides = array<i32>} : memref<2x128x128xf32, #tpu.memory_space<vmem>>, vector<1x1x16xf32>,
      %get3A_364 = vector.shape_cast %get3A_363 : vector<1x1x16xf32> to vector<16xf32>
      %mul3A_365 = arith.constant 11.3137083 : f32
      %mul3A_366 = vector.broadcast %mul3A_365 : f32 to vector<16xf32>
      %mul3A_367 = arith.mulf %get3A_364, %mul3A_366 : vector<16xf32>
      %swap3A_368 = arith.constant 0 : i32
      %swap3A_369 = arith.index_cast %swap3A_368 : i32 to index
      %swap3A_370 = arith.index_cast %scan3A_280 : i32 to index
      %swap3A_371 = arith.constant 80 : index
      %swap3A_372 = tpu.vector_load %arg7[%swap3A_369, %swap3A_370, %swap3A_371] {strides = array<i32>} : memref<2x128x128xf32, #tpu.memory_space<vmem>>, vector<1x1x16xf32>,
      %swap3A_373 = vector.shape_cast %swap3A_372 : vector<1x1x16xf32> to vector<16xf32>
      %swap3A_374 = vector.shape_cast %mul3A_367 : vector<16xf32> to vector<1x1x16xf32>
      tpu.vector_store %arg7[%swap3A_369, %swap3A_370, %swap3A_371], %swap3A_374 {strides = array<i32>} : memref<2x128x128xf32, #tpu.memory_space<vmem>>, vector<1x1x16xf32>,
      %get3A_375 = arith.constant 0 : i32
      %get3A_376 = arith.index_cast %get3A_375 : i32 to index
      %get3A_377 = arith.index_cast %scan3A_280 : i32 to index
      %get3A_378 = arith.constant 96 : index
      %get3A_379 = tpu.vector_load %arg6[%get3A_376, %get3A_377, %get3A_378] {strides = array<i32>} : memref<2x128x128xf32, #tpu.memory_space<vmem>>, vector<1x1x16xf32>,
      %get3A_380 = vector.shape_cast %get3A_379 : vector<1x1x16xf32> to vector<16xf32>
      %mul3A_381 = arith.constant 11.3137083 : f32
      %mul3A_382 = vector.broadcast %mul3A_381 : f32 to vector<16xf32>
      %mul3A_383 = arith.mulf %get3A_380, %mul3A_382 : vector<16xf32>
      %swap3A_384 = arith.constant 0 : i32
      %swap3A_385 = arith.index_cast %swap3A_384 : i32 to index
      %swap3A_386 = arith.index_cast %scan3A_280 : i32 to index
      %swap3A_387 = arith.constant 96 : index
      %swap3A_388 = tpu.vector_load %arg7[%swap3A_385, %swap3A_386, %swap3A_387] {strides = array<i32>} : memref<2x128x128xf32, #tpu.memory_space<vmem>>, vector<1x1x16xf32>,
      %swap3A_389 = vector.shape_cast %swap3A_388 : vector<1x1x16xf32> to vector<16xf32>
      %swap3A_390 = vector.shape_cast %mul3A_383 : vector<16xf32> to vector<1x1x16xf32>
      tpu.vector_store %arg7[%swap3A_385, %swap3A_386, %swap3A_387], %swap3A_390 {strides = array<i32>} : memref<2x128x128xf32, #tpu.memory_space<vmem>>, vector<1x1x16xf32>,
      %get3A_391 = arith.constant 0 : i32
      %get3A_392 = arith.index_cast %get3A_391 : i32 to index
      %get3A_393 = arith.index_cast %scan3A_280 : i32 to index
      %get3A_394 = arith.constant 112 : index
      %get3A_395 = tpu.vector_load %arg6[%get3A_392, %get3A_393, %get3A_394] {strides = array<i32>} : memref<2x128x128xf32, #tpu.memory_space<vmem>>, vector<1x1x16xf32>,
      %get3A_396 = vector.shape_cast %get3A_395 : vector<1x1x16xf32> to vector<16xf32>
      %mul3A_397 = arith.constant 11.3137083 : f32
      %mul3A_398 = vector.broadcast %mul3A_397 : f32 to vector<16xf32>
      %mul3A_399 = arith.mulf %get3A_396, %mul3A_398 : vector<16xf32>
      %swap3A_400 = arith.constant 0 : i32
      %swap3A_401 = arith.index_cast %swap3A_400 : i32 to index
      %swap3A_402 = arith.index_cast %scan3A_280 : i32 to index
      %swap3A_403 = arith.constant 112 : index
      %swap3A_404 = tpu.vector_load %arg7[%swap3A_401, %swap3A_402, %swap3A_403] {strides = array<i32>} : memref<2x128x128xf32, #tpu.memory_space<vmem>>, vector<1x1x16xf32>,
      %swap3A_405 = vector.shape_cast %swap3A_404 : vector<1x1x16xf32> to vector<16xf32>
      %swap3A_406 = vector.shape_cast %mul3A_399 : vector<16xf32> to vector<1x1x16xf32>
      tpu.vector_store %arg7[%swap3A_401, %swap3A_402, %swap3A_403], %swap3A_406 {strides = array<i32>} : memref<2x128x128xf32, #tpu.memory_space<vmem>>, vector<1x1x16xf32>,
    }
    %scan3A_165 = arith.constant 128 : i32
    %mul3A_166 = arith.constant 50 : i32
    %mul3A_167 = arith.muli %add3A, %mul3A_166 : i32
    %add3A_168 = arith.constant 48 : i32
    %add3A_169 = arith.addi %mul3A_167, %add3A_168 : i32
    %dma_start3A_170 = arith.constant 0 : i32
    %dma_start3A_171 = arith.constant 0 : i32
    %dma_start3A_172 = arith.constant 0 : i32
    %dma_start3A_173 = tpu.memref_slice %arg7[%dma_start3A_170, %dma_start3A_171, %dma_start3A_172] : memref<2x128x128xf32, #tpu.memory_space<vmem>> -> memref<1x128x128xf32, #tpu.memory_space<vmem>>
    %dma_start3A_174 = tpu.memref_squeeze %dma_start3A_173 : memref<1x128x128xf32, #tpu.memory_space<vmem>> -> memref<128x128xf32, #tpu.memory_space<vmem>>
    %dma_start3A_175 = arith.constant 0 : i32
    %dma_start3A_176 = arith.constant 0 : i32
    %dma_start3A_177 = tpu.memref_slice %arg4[%add3A_169, %dma_start3A_175, %dma_start3A_176] : memref<1600x128x128xf32, #tpu.memory_space<hbm>> -> memref<1x128x128xf32, #tpu.memory_space<hbm>>
    %dma_start3A_178 = tpu.memref_squeeze %dma_start3A_177 : memref<1x128x128xf32, #tpu.memory_space<hbm>> -> memref<128x128xf32, #tpu.memory_space<hbm>>
    %dma_start3A_179 = arith.constant 0 : i32
    %dma_start3A_180 = arith.constant 0 : i32
    %dma_start3A_181 = tpu.memref_slice %arg4[%add3A_169, %dma_start3A_179, %dma_start3A_180] : memref<1600x128x128xf32, #tpu.memory_space<hbm>> -> memref<1x128x128xf32, #tpu.memory_space<hbm>>
    %dma_start3A_182 = tpu.memref_squeeze %dma_start3A_181 : memref<1x128x128xf32, #tpu.memory_space<hbm>> -> memref<128x128xf32, #tpu.memory_space<hbm>>
    %dma_start3A_183 = arith.constant 0 : i32
    %dma_start3A_184 = arith.constant 0 : i32
    %dma_start3A_185 = tpu.memref_slice %arg7[%dma_start3A_170, %dma_start3A_183, %dma_start3A_184] : memref<2x128x128xf32, #tpu.memory_space<vmem>> -> memref<1x128x128xf32, #tpu.memory_space<vmem>>
    %dma_start3A_186 = tpu.memref_squeeze %dma_start3A_185 : memref<1x128x128xf32, #tpu.memory_space<vmem>> -> memref<128x128xf32, #tpu.memory_space<vmem>>
    tpu.enqueue_dma source(%dma_start3A_186 : memref<128x128xf32, #tpu.memory_space<vmem>>) target(%dma_start3A_182 : memref<128x128xf32, #tpu.memory_space<hbm>>) target_semaphore(%arg10 : memref<!tpu.dma_semaphore, #tpu.memory_space<semaphore_mem>>)
    %dma_wait3A_187 = arith.constant 49 : i32
    %dma_wait3A_188 = arith.constant 1 : i32
    %dma_wait3A_189 = arith.constant 0 : i32
    %dma_wait3A_190 = arith.constant 0 : i32
    %dma_wait3A_191 = tpu.memref_slice %arg6[%dma_wait3A_188, %dma_wait3A_189, %dma_wait3A_190] : memref<2x128x128xf32, #tpu.memory_space<vmem>> -> memref<1x128x128xf32, #tpu.memory_space<vmem>>
    %dma_wait3A_192 = tpu.memref_squeeze %dma_wait3A_191 : memref<1x128x128xf32, #tpu.memory_space<vmem>> -> memref<128x128xf32, #tpu.memory_space<vmem>>
    %dma_wait3A_193 = arith.constant 0 : i32
    %dma_wait3A_194 = tpu.memref_slice %arg5[%dma_wait3A_187, %dma_wait3A_193] : memref<50x128xi32, #tpu.memory_space<vmem>> -> memref<1x128xi32, #tpu.memory_space<vmem>>
    %dma_wait3A_195 = tpu.memref_squeeze %dma_wait3A_194 : memref<1x128xi32, #tpu.memory_space<vmem>> -> memref<128xi32, #tpu.memory_space<vmem>>
    %dma_wait3A_196 = arith.constant 0 : i32
    %dma_wait3A_197 = arith.constant 0 : i32
    %dma_wait3A_198 = tpu.memref_slice %arg3[%dma_wait3A_196, %dma_wait3A_197] : memref<99999x128xf32, #tpu.memory_space<hbm>> -> memref<99999x128xf32, #tpu.memory_space<hbm>>
    tpu.wait_indirect_dma semaphore(%arg9 : memref<!tpu.dma_semaphore, #tpu.memory_space<semaphore_mem>>) src(%dma_wait3A_198 : memref<99999x128xf32, #tpu.memory_space<hbm>>) dst(%dma_wait3A_192 : memref<128x128xf32, #tpu.memory_space<vmem>>)
    %dma_wait3A_199 = arith.constant 1 : i32
    %dma_wait3A_200 = arith.constant 0 : i32
    %dma_wait3A_201 = arith.constant 0 : i32
    %dma_wait3A_202 = arith.constant 0 : i32
    %dma_wait3A_203 = tpu.memref_slice %arg7[%dma_wait3A_199, %dma_wait3A_201, %dma_wait3A_202] : memref<2x128x128xf32, #tpu.memory_space<vmem>> -> memref<1x128x128xf32, #tpu.memory_space<vmem>>
    %dma_wait3A_204 = tpu.memref_squeeze %dma_wait3A_203 : memref<1x128x128xf32, #tpu.memory_space<vmem>> -> memref<128x128xf32, #tpu.memory_space<vmem>>
    %dma_wait3A_205 = arith.constant 0 : i32
    %dma_wait3A_206 = arith.constant 0 : i32
    %dma_wait3A_207 = tpu.memref_slice %arg4[%dma_wait3A_200, %dma_wait3A_205, %dma_wait3A_206] : memref<1600x128x128xf32, #tpu.memory_space<hbm>> -> memref<1x128x128xf32, #tpu.memory_space<hbm>>
    %dma_wait3A_208 = tpu.memref_squeeze %dma_wait3A_207 : memref<1x128x128xf32, #tpu.memory_space<hbm>> -> memref<128x128xf32, #tpu.memory_space<hbm>>
    %dma_wait3A_209 = arith.constant 0 : i32
    %dma_wait3A_210 = arith.constant 0 : i32
    %dma_wait3A_211 = tpu.memref_slice %arg4[%dma_wait3A_200, %dma_wait3A_209, %dma_wait3A_210] : memref<1600x128x128xf32, #tpu.memory_space<hbm>> -> memref<1x128x128xf32, #tpu.memory_space<hbm>>
    %dma_wait3A_212 = tpu.memref_squeeze %dma_wait3A_211 : memref<1x128x128xf32, #tpu.memory_space<hbm>> -> memref<128x128xf32, #tpu.memory_space<hbm>>
    %dma_wait3A_213 = arith.constant 0 : i32
    %dma_wait3A_214 = arith.constant 0 : i32
    %dma_wait3A_215 = tpu.memref_slice %arg7[%dma_wait3A_199, %dma_wait3A_213, %dma_wait3A_214] : memref<2x128x128xf32, #tpu.memory_space<vmem>> -> memref<1x128x128xf32, #tpu.memory_space<vmem>>
    %dma_wait3A_216 = tpu.memref_squeeze %dma_wait3A_215 : memref<1x128x128xf32, #tpu.memory_space<vmem>> -> memref<128x128xf32, #tpu.memory_space<vmem>>
    tpu.wait_dma2 semaphore(%arg11 : memref<!tpu.dma_semaphore, #tpu.memory_space<semaphore_mem>>) src(%dma_wait3A_216 : memref<128x128xf32, #tpu.memory_space<vmem>>) dst(%dma_wait3A_212 : memref<128x128xf32, #tpu.memory_space<hbm>>)
    %scan3A_217 = arith.constant 0 : i32
    %scan3A_218 = arith.constant 0 : i32
    %scan3A_219 = arith.constant 128 : i32
    %scan3A_220 = arith.addi %scan3A_218, %scan3A_219 : i32
    %scan3A_221 = arith.constant 1 : i32
    scf.for %scan3A_280 = %scan3A_218 to %scan3A_220 step %scan3A_221  : i32 {
      %get3A = arith.constant 1 : i32
      %get3A_281 = arith.index_cast %get3A : i32 to index
      %get3A_282 = arith.index_cast %scan3A_280 : i32 to index
      %get3A_283 = arith.constant 0 : index
      %get3A_284 = tpu.vector_load %arg6[%get3A_281, %get3A_282, %get3A_283] {strides = array<i32>} : memref<2x128x128xf32, #tpu.memory_space<vmem>>, vector<1x1x16xf32>,
      %get3A_285 = vector.shape_cast %get3A_284 : vector<1x1x16xf32> to vector<16xf32>
      %mul3A_286 = arith.constant 11.3137083 : f32
      %mul3A_287 = vector.broadcast %mul3A_286 : f32 to vector<16xf32>
      %mul3A_288 = arith.mulf %get3A_285, %mul3A_287 : vector<16xf32>
      %swap3A = arith.constant 1 : i32
      %swap3A_289 = arith.index_cast %swap3A : i32 to index
      %swap3A_290 = arith.index_cast %scan3A_280 : i32 to index
      %swap3A_291 = arith.constant 0 : index
      %swap3A_292 = tpu.vector_load %arg7[%swap3A_289, %swap3A_290, %swap3A_291] {strides = array<i32>} : memref<2x128x128xf32, #tpu.memory_space<vmem>>, vector<1x1x16xf32>,
      %swap3A_293 = vector.shape_cast %swap3A_292 : vector<1x1x16xf32> to vector<16xf32>
      %swap3A_294 = vector.shape_cast %mul3A_288 : vector<16xf32> to vector<1x1x16xf32>
      tpu.vector_store %arg7[%swap3A_289, %swap3A_290, %swap3A_291], %swap3A_294 {strides = array<i32>} : memref<2x128x128xf32, #tpu.memory_space<vmem>>, vector<1x1x16xf32>,
      %get3A_295 = arith.constant 1 : i32
      %get3A_296 = arith.index_cast %get3A_295 : i32 to index
      %get3A_297 = arith.index_cast %scan3A_280 : i32 to index
      %get3A_298 = arith.constant 16 : index
      %get3A_299 = tpu.vector_load %arg6[%get3A_296, %get3A_297, %get3A_298] {strides = array<i32>} : memref<2x128x128xf32, #tpu.memory_space<vmem>>, vector<1x1x16xf32>,
      %get3A_300 = vector.shape_cast %get3A_299 : vector<1x1x16xf32> to vector<16xf32>
      %mul3A_301 = arith.constant 11.3137083 : f32
      %mul3A_302 = vector.broadcast %mul3A_301 : f32 to vector<16xf32>
      %mul3A_303 = arith.mulf %get3A_300, %mul3A_302 : vector<16xf32>
      %swap3A_304 = arith.constant 1 : i32
      %swap3A_305 = arith.index_cast %swap3A_304 : i32 to index
      %swap3A_306 = arith.index_cast %scan3A_280 : i32 to index
      %swap3A_307 = arith.constant 16 : index
      %swap3A_308 = tpu.vector_load %arg7[%swap3A_305, %swap3A_306, %swap3A_307] {strides = array<i32>} : memref<2x128x128xf32, #tpu.memory_space<vmem>>, vector<1x1x16xf32>,
      %swap3A_309 = vector.shape_cast %swap3A_308 : vector<1x1x16xf32> to vector<16xf32>
      %swap3A_310 = vector.shape_cast %mul3A_303 : vector<16xf32> to vector<1x1x16xf32>
      tpu.vector_store %arg7[%swap3A_305, %swap3A_306, %swap3A_307], %swap3A_310 {strides = array<i32>} : memref<2x128x128xf32, #tpu.memory_space<vmem>>, vector<1x1x16xf32>,
      %get3A_311 = arith.constant 1 : i32
      %get3A_312 = arith.index_cast %get3A_311 : i32 to index
      %get3A_313 = arith.index_cast %scan3A_280 : i32 to index
      %get3A_314 = arith.constant 32 : index
      %get3A_315 = tpu.vector_load %arg6[%get3A_312, %get3A_313, %get3A_314] {strides = array<i32>} : memref<2x128x128xf32, #tpu.memory_space<vmem>>, vector<1x1x16xf32>,
      %get3A_316 = vector.shape_cast %get3A_315 : vector<1x1x16xf32> to vector<16xf32>
      %mul3A_317 = arith.constant 11.3137083 : f32
      %mul3A_318 = vector.broadcast %mul3A_317 : f32 to vector<16xf32>
      %mul3A_319 = arith.mulf %get3A_316, %mul3A_318 : vector<16xf32>
      %swap3A_320 = arith.constant 1 : i32
      %swap3A_321 = arith.index_cast %swap3A_320 : i32 to index
      %swap3A_322 = arith.index_cast %scan3A_280 : i32 to index
      %swap3A_323 = arith.constant 32 : index
      %swap3A_324 = tpu.vector_load %arg7[%swap3A_321, %swap3A_322, %swap3A_323] {strides = array<i32>} : memref<2x128x128xf32, #tpu.memory_space<vmem>>, vector<1x1x16xf32>,
      %swap3A_325 = vector.shape_cast %swap3A_324 : vector<1x1x16xf32> to vector<16xf32>
      %swap3A_326 = vector.shape_cast %mul3A_319 : vector<16xf32> to vector<1x1x16xf32>
      tpu.vector_store %arg7[%swap3A_321, %swap3A_322, %swap3A_323], %swap3A_326 {strides = array<i32>} : memref<2x128x128xf32, #tpu.memory_space<vmem>>, vector<1x1x16xf32>,
      %get3A_327 = arith.constant 1 : i32
      %get3A_328 = arith.index_cast %get3A_327 : i32 to index
      %get3A_329 = arith.index_cast %scan3A_280 : i32 to index
      %get3A_330 = arith.constant 48 : index
      %get3A_331 = tpu.vector_load %arg6[%get3A_328, %get3A_329, %get3A_330] {strides = array<i32>} : memref<2x128x128xf32, #tpu.memory_space<vmem>>, vector<1x1x16xf32>,
      %get3A_332 = vector.shape_cast %get3A_331 : vector<1x1x16xf32> to vector<16xf32>
      %mul3A_333 = arith.constant 11.3137083 : f32
      %mul3A_334 = vector.broadcast %mul3A_333 : f32 to vector<16xf32>
      %mul3A_335 = arith.mulf %get3A_332, %mul3A_334 : vector<16xf32>
      %swap3A_336 = arith.constant 1 : i32
      %swap3A_337 = arith.index_cast %swap3A_336 : i32 to index
      %swap3A_338 = arith.index_cast %scan3A_280 : i32 to index
      %swap3A_339 = arith.constant 48 : index
      %swap3A_340 = tpu.vector_load %arg7[%swap3A_337, %swap3A_338, %swap3A_339] {strides = array<i32>} : memref<2x128x128xf32, #tpu.memory_space<vmem>>, vector<1x1x16xf32>,
      %swap3A_341 = vector.shape_cast %swap3A_340 : vector<1x1x16xf32> to vector<16xf32>
      %swap3A_342 = vector.shape_cast %mul3A_335 : vector<16xf32> to vector<1x1x16xf32>
      tpu.vector_store %arg7[%swap3A_337, %swap3A_338, %swap3A_339], %swap3A_342 {strides = array<i32>} : memref<2x128x128xf32, #tpu.memory_space<vmem>>, vector<1x1x16xf32>,
      %get3A_343 = arith.constant 1 : i32
      %get3A_344 = arith.index_cast %get3A_343 : i32 to index
      %get3A_345 = arith.index_cast %scan3A_280 : i32 to index
      %get3A_346 = arith.constant 64 : index
      %get3A_347 = tpu.vector_load %arg6[%get3A_344, %get3A_345, %get3A_346] {strides = array<i32>} : memref<2x128x128xf32, #tpu.memory_space<vmem>>, vector<1x1x16xf32>,
      %get3A_348 = vector.shape_cast %get3A_347 : vector<1x1x16xf32> to vector<16xf32>
      %mul3A_349 = arith.constant 11.3137083 : f32
      %mul3A_350 = vector.broadcast %mul3A_349 : f32 to vector<16xf32>
      %mul3A_351 = arith.mulf %get3A_348, %mul3A_350 : vector<16xf32>
      %swap3A_352 = arith.constant 1 : i32
      %swap3A_353 = arith.index_cast %swap3A_352 : i32 to index
      %swap3A_354 = arith.index_cast %scan3A_280 : i32 to index
      %swap3A_355 = arith.constant 64 : index
      %swap3A_356 = tpu.vector_load %arg7[%swap3A_353, %swap3A_354, %swap3A_355] {strides = array<i32>} : memref<2x128x128xf32, #tpu.memory_space<vmem>>, vector<1x1x16xf32>,
      %swap3A_357 = vector.shape_cast %swap3A_356 : vector<1x1x16xf32> to vector<16xf32>
      %swap3A_358 = vector.shape_cast %mul3A_351 : vector<16xf32> to vector<1x1x16xf32>
      tpu.vector_store %arg7[%swap3A_353, %swap3A_354, %swap3A_355], %swap3A_358 {strides = array<i32>} : memref<2x128x128xf32, #tpu.memory_space<vmem>>, vector<1x1x16xf32>,
      %get3A_359 = arith.constant 1 : i32
      %get3A_360 = arith.index_cast %get3A_359 : i32 to index
      %get3A_361 = arith.index_cast %scan3A_280 : i32 to index
      %get3A_362 = arith.constant 80 : index
      %get3A_363 = tpu.vector_load %arg6[%get3A_360, %get3A_361, %get3A_362] {strides = array<i32>} : memref<2x128x128xf32, #tpu.memory_space<vmem>>, vector<1x1x16xf32>,
      %get3A_364 = vector.shape_cast %get3A_363 : vector<1x1x16xf32> to vector<16xf32>
      %mul3A_365 = arith.constant 11.3137083 : f32
      %mul3A_366 = vector.broadcast %mul3A_365 : f32 to vector<16xf32>
      %mul3A_367 = arith.mulf %get3A_364, %mul3A_366 : vector<16xf32>
      %swap3A_368 = arith.constant 1 : i32
      %swap3A_369 = arith.index_cast %swap3A_368 : i32 to index
      %swap3A_370 = arith.index_cast %scan3A_280 : i32 to index
      %swap3A_371 = arith.constant 80 : index
      %swap3A_372 = tpu.vector_load %arg7[%swap3A_369, %swap3A_370, %swap3A_371] {strides = array<i32>} : memref<2x128x128xf32, #tpu.memory_space<vmem>>, vector<1x1x16xf32>,
      %swap3A_373 = vector.shape_cast %swap3A_372 : vector<1x1x16xf32> to vector<16xf32>
      %swap3A_374 = vector.shape_cast %mul3A_367 : vector<16xf32> to vector<1x1x16xf32>
      tpu.vector_store %arg7[%swap3A_369, %swap3A_370, %swap3A_371], %swap3A_374 {strides = array<i32>} : memref<2x128x128xf32, #tpu.memory_space<vmem>>, vector<1x1x16xf32>,
      %get3A_375 = arith.constant 1 : i32
      %get3A_376 = arith.index_cast %get3A_375 : i32 to index
      %get3A_377 = arith.index_cast %scan3A_280 : i32 to index
      %get3A_378 = arith.constant 96 : index
      %get3A_379 = tpu.vector_load %arg6[%get3A_376, %get3A_377, %get3A_378] {strides = array<i32>} : memref<2x128x128xf32, #tpu.memory_space<vmem>>, vector<1x1x16xf32>,
      %get3A_380 = vector.shape_cast %get3A_379 : vector<1x1x16xf32> to vector<16xf32>
      %mul3A_381 = arith.constant 11.3137083 : f32
      %mul3A_382 = vector.broadcast %mul3A_381 : f32 to vector<16xf32>
      %mul3A_383 = arith.mulf %get3A_380, %mul3A_382 : vector<16xf32>
      %swap3A_384 = arith.constant 1 : i32
      %swap3A_385 = arith.index_cast %swap3A_384 : i32 to index
      %swap3A_386 = arith.index_cast %scan3A_280 : i32 to index
      %swap3A_387 = arith.constant 96 : index
      %swap3A_388 = tpu.vector_load %arg7[%swap3A_385, %swap3A_386, %swap3A_387] {strides = array<i32>} : memref<2x128x128xf32, #tpu.memory_space<vmem>>, vector<1x1x16xf32>,
      %swap3A_389 = vector.shape_cast %swap3A_388 : vector<1x1x16xf32> to vector<16xf32>
      %swap3A_390 = vector.shape_cast %mul3A_383 : vector<16xf32> to vector<1x1x16xf32>
      tpu.vector_store %arg7[%swap3A_385, %swap3A_386, %swap3A_387], %swap3A_390 {strides = array<i32>} : memref<2x128x128xf32, #tpu.memory_space<vmem>>, vector<1x1x16xf32>,
      %get3A_391 = arith.constant 1 : i32
      %get3A_392 = arith.index_cast %get3A_391 : i32 to index
      %get3A_393 = arith.index_cast %scan3A_280 : i32 to index
      %get3A_394 = arith.constant 112 : index
      %get3A_395 = tpu.vector_load %arg6[%get3A_392, %get3A_393, %get3A_394] {strides = array<i32>} : memref<2x128x128xf32, #tpu.memory_space<vmem>>, vector<1x1x16xf32>,
      %get3A_396 = vector.shape_cast %get3A_395 : vector<1x1x16xf32> to vector<16xf32>
      %mul3A_397 = arith.constant 11.3137083 : f32
      %mul3A_398 = vector.broadcast %mul3A_397 : f32 to vector<16xf32>
      %mul3A_399 = arith.mulf %get3A_396, %mul3A_398 : vector<16xf32>
      %swap3A_400 = arith.constant 1 : i32
      %swap3A_401 = arith.index_cast %swap3A_400 : i32 to index
      %swap3A_402 = arith.index_cast %scan3A_280 : i32 to index
      %swap3A_403 = arith.constant 112 : index
      %swap3A_404 = tpu.vector_load %arg7[%swap3A_401, %swap3A_402, %swap3A_403] {strides = array<i32>} : memref<2x128x128xf32, #tpu.memory_space<vmem>>, vector<1x1x16xf32>,
      %swap3A_405 = vector.shape_cast %swap3A_404 : vector<1x1x16xf32> to vector<16xf32>
      %swap3A_406 = vector.shape_cast %mul3A_399 : vector<16xf32> to vector<1x1x16xf32>
      tpu.vector_store %arg7[%swap3A_401, %swap3A_402, %swap3A_403], %swap3A_406 {strides = array<i32>} : memref<2x128x128xf32, #tpu.memory_space<vmem>>, vector<1x1x16xf32>,
    }
    %scan3A_222 = arith.constant 128 : i32
    %mul3A_223 = arith.constant 50 : i32
    %mul3A_224 = arith.muli %add3A, %mul3A_223 : i32
    %add3A_225 = arith.constant 49 : i32
    %add3A_226 = arith.addi %mul3A_224, %add3A_225 : i32
    %dma_start3A_227 = arith.constant 1 : i32
    %dma_start3A_228 = arith.constant 0 : i32
    %dma_start3A_229 = arith.constant 0 : i32
    %dma_start3A_230 = tpu.memref_slice %arg7[%dma_start3A_227, %dma_start3A_228, %dma_start3A_229] : memref<2x128x128xf32, #tpu.memory_space<vmem>> -> memref<1x128x128xf32, #tpu.memory_space<vmem>>
    %dma_start3A_231 = tpu.memref_squeeze %dma_start3A_230 : memref<1x128x128xf32, #tpu.memory_space<vmem>> -> memref<128x128xf32, #tpu.memory_space<vmem>>
    %dma_start3A_232 = arith.constant 0 : i32
    %dma_start3A_233 = arith.constant 0 : i32
    %dma_start3A_234 = tpu.memref_slice %arg4[%add3A_226, %dma_start3A_232, %dma_start3A_233] : memref<1600x128x128xf32, #tpu.memory_space<hbm>> -> memref<1x128x128xf32, #tpu.memory_space<hbm>>
    %dma_start3A_235 = tpu.memref_squeeze %dma_start3A_234 : memref<1x128x128xf32, #tpu.memory_space<hbm>> -> memref<128x128xf32, #tpu.memory_space<hbm>>
    %dma_start3A_236 = arith.constant 0 : i32
    %dma_start3A_237 = arith.constant 0 : i32
    %dma_start3A_238 = tpu.memref_slice %arg4[%add3A_226, %dma_start3A_236, %dma_start3A_237] : memref<1600x128x128xf32, #tpu.memory_space<hbm>> -> memref<1x128x128xf32, #tpu.memory_space<hbm>>
    %dma_start3A_239 = tpu.memref_squeeze %dma_start3A_238 : memref<1x128x128xf32, #tpu.memory_space<hbm>> -> memref<128x128xf32, #tpu.memory_space<hbm>>
    %dma_start3A_240 = arith.constant 0 : i32
    %dma_start3A_241 = arith.constant 0 : i32
    %dma_start3A_242 = tpu.memref_slice %arg7[%dma_start3A_227, %dma_start3A_240, %dma_start3A_241] : memref<2x128x128xf32, #tpu.memory_space<vmem>> -> memref<1x128x128xf32, #tpu.memory_space<vmem>>
    %dma_start3A_243 = tpu.memref_squeeze %dma_start3A_242 : memref<1x128x128xf32, #tpu.memory_space<vmem>> -> memref<128x128xf32, #tpu.memory_space<vmem>>
    tpu.enqueue_dma source(%dma_start3A_243 : memref<128x128xf32, #tpu.memory_space<vmem>>) target(%dma_start3A_239 : memref<128x128xf32, #tpu.memory_space<hbm>>) target_semaphore(%arg11 : memref<!tpu.dma_semaphore, #tpu.memory_space<semaphore_mem>>)
    %dma_wait3A_244 = arith.constant 0 : i32
    %dma_wait3A_245 = arith.constant 0 : i32
    %dma_wait3A_246 = arith.constant 0 : i32
    %dma_wait3A_247 = arith.constant 0 : i32
    %dma_wait3A_248 = tpu.memref_slice %arg7[%dma_wait3A_244, %dma_wait3A_246, %dma_wait3A_247] : memref<2x128x128xf32, #tpu.memory_space<vmem>> -> memref<1x128x128xf32, #tpu.memory_space<vmem>>
    %dma_wait3A_249 = tpu.memref_squeeze %dma_wait3A_248 : memref<1x128x128xf32, #tpu.memory_space<vmem>> -> memref<128x128xf32, #tpu.memory_space<vmem>>
    %dma_wait3A_250 = arith.constant 0 : i32
    %dma_wait3A_251 = arith.constant 0 : i32
    %dma_wait3A_252 = tpu.memref_slice %arg4[%dma_wait3A_245, %dma_wait3A_250, %dma_wait3A_251] : memref<1600x128x128xf32, #tpu.memory_space<hbm>> -> memref<1x128x128xf32, #tpu.memory_space<hbm>>
    %dma_wait3A_253 = tpu.memref_squeeze %dma_wait3A_252 : memref<1x128x128xf32, #tpu.memory_space<hbm>> -> memref<128x128xf32, #tpu.memory_space<hbm>>
    %dma_wait3A_254 = arith.constant 0 : i32
    %dma_wait3A_255 = arith.constant 0 : i32
    %dma_wait3A_256 = tpu.memref_slice %arg4[%dma_wait3A_245, %dma_wait3A_254, %dma_wait3A_255] : memref<1600x128x128xf32, #tpu.memory_space<hbm>> -> memref<1x128x128xf32, #tpu.memory_space<hbm>>
    %dma_wait3A_257 = tpu.memref_squeeze %dma_wait3A_256 : memref<1x128x128xf32, #tpu.memory_space<hbm>> -> memref<128x128xf32, #tpu.memory_space<hbm>>
    %dma_wait3A_258 = arith.constant 0 : i32
    %dma_wait3A_259 = arith.constant 0 : i32
    %dma_wait3A_260 = tpu.memref_slice %arg7[%dma_wait3A_244, %dma_wait3A_258, %dma_wait3A_259] : memref<2x128x128xf32, #tpu.memory_space<vmem>> -> memref<1x128x128xf32, #tpu.memory_space<vmem>>
    %dma_wait3A_261 = tpu.memref_squeeze %dma_wait3A_260 : memref<1x128x128xf32, #tpu.memory_space<vmem>> -> memref<128x128xf32, #tpu.memory_space<vmem>>
    tpu.wait_dma2 semaphore(%arg10 : memref<!tpu.dma_semaphore, #tpu.memory_space<semaphore_mem>>) src(%dma_wait3A_261 : memref<128x128xf32, #tpu.memory_space<vmem>>) dst(%dma_wait3A_257 : memref<128x128xf32, #tpu.memory_space<hbm>>)
    %dma_wait3A_262 = arith.constant 1 : i32
    %dma_wait3A_263 = arith.constant 0 : i32
    %dma_wait3A_264 = arith.constant 0 : i32
    %dma_wait3A_265 = arith.constant 0 : i32
    %dma_wait3A_266 = tpu.memref_slice %arg7[%dma_wait3A_262, %dma_wait3A_264, %dma_wait3A_265] : memref<2x128x128xf32, #tpu.memory_space<vmem>> -> memref<1x128x128xf32, #tpu.memory_space<vmem>>
    %dma_wait3A_267 = tpu.memref_squeeze %dma_wait3A_266 : memref<1x128x128xf32, #tpu.memory_space<vmem>> -> memref<128x128xf32, #tpu.memory_space<vmem>>
    %dma_wait3A_268 = arith.constant 0 : i32
    %dma_wait3A_269 = arith.constant 0 : i32
    %dma_wait3A_270 = tpu.memref_slice %arg4[%dma_wait3A_263, %dma_wait3A_268, %dma_wait3A_269] : memref<1600x128x128xf32, #tpu.memory_space<hbm>> -> memref<1x128x128xf32, #tpu.memory_space<hbm>>
    %dma_wait3A_271 = tpu.memref_squeeze %dma_wait3A_270 : memref<1x128x128xf32, #tpu.memory_space<hbm>> -> memref<128x128xf32, #tpu.memory_space<hbm>>
    %dma_wait3A_272 = arith.constant 0 : i32
    %dma_wait3A_273 = arith.constant 0 : i32
    %dma_wait3A_274 = tpu.memref_slice %arg4[%dma_wait3A_263, %dma_wait3A_272, %dma_wait3A_273] : memref<1600x128x128xf32, #tpu.memory_space<hbm>> -> memref<1x128x128xf32, #tpu.memory_space<hbm>>
    %dma_wait3A_275 = tpu.memref_squeeze %dma_wait3A_274 : memref<1x128x128xf32, #tpu.memory_space<hbm>> -> memref<128x128xf32, #tpu.memory_space<hbm>>
    %dma_wait3A_276 = arith.constant 0 : i32
    %dma_wait3A_277 = arith.constant 0 : i32
    %dma_wait3A_278 = tpu.memref_slice %arg7[%dma_wait3A_262, %dma_wait3A_276, %dma_wait3A_277] : memref<2x128x128xf32, #tpu.memory_space<vmem>> -> memref<1x128x128xf32, #tpu.memory_space<vmem>>
    %dma_wait3A_279 = tpu.memref_squeeze %dma_wait3A_278 : memref<1x128x128xf32, #tpu.memory_space<vmem>> -> memref<128x128xf32, #tpu.memory_space<vmem>>
    tpu.wait_dma2 semaphore(%arg11 : memref<!tpu.dma_semaphore, #tpu.memory_space<semaphore_mem>>) src(%dma_wait3A_279 : memref<128x128xf32, #tpu.memory_space<vmem>>) dst(%dma_wait3A_275 : memref<128x128xf32, #tpu.memory_space<hbm>>)
    return
  }
}

</mosaic_0001>

<sc_bundles>
// kernel: kernel.3.cloned.1.call-start
scs
__scs_entry_jumppad:
0x0: {  	(pc) =	sbr.rel $0x88, $3  }
0x1: {  	(tag) =	ssettag $0x0;
	lr =	simm.s32 $0x1  }
0x2: {  	[smem:$0x3F9F] =	sst lr;
	_ =	strace $0xD0000000  }
0x3: {  	_ = 	snop  }
0x4: {  	_ = 	snop  }
0x5: {  	_ = 	snop  }
0x6: {  	_ = 	snop  }
0x7: {  	_ = 	snop  }
__scs_overlays_trampoline_lowered:
0x8: {  	[smem:$0x3FAE] =	sst s0  }
0x9: {  	[smem:$0x3FAF] =	sst s1  }
0xa: {  	[smem:$0x3FB0] =	sst s2  }
0xb: {  	[smem:$0x3FB1] =	sst s3  }
0xc: {  	[smem:$0x3FB2] =	sst s4  }
0xd: {  	[smem:$0x3FB3] =	sst s5  }
0xe: {  	[smem:$0x3FB4] =	sst s6  }
0xf: {  	[smem:$0x3FB5] =	sst s7  }
0x10: {  	[smem:$0x3FB6] =	sst s8  }
0x11: {  	[smem:$0x3FB7] =	sst s9;
	s0 =	simm.s32 @!p0 $0x0  }
0x12: {  	s1 =	sld [smem:$0x3F9D];
	s0 =	simm.s32 @p0 $0x1  }
0x13: {  	[smem:$0x3FB8] =	sst s0;
	s0 =	simm.s32 @!p1 $0x0  }
0x14: {  	s2 =	sld [smem:$0x3F9C];
	s0 =	simm.s32 @p1 $0x1  }
0x15: {  	[smem:$0x3FB9] =	sst s0;
	s0 =	simm.s32 @!p2 $0x0  }
0x16: {  	s3 =	sld [smem:$0x3FDB];
	s0 =	simm.s32 @p2 $0x1  }
0x17: {  	s4 =	simm.s32 $0x1BF5;
	[smem:$0x3FBB] =	sst s0  }
0x18: {  	s0 =	sld [smem:$0x3F9E];
	_ =	swait.ge [sflag:s4], $0x0  }
0x19: {  	s7 =	sld [smem:$0x3F9F]  }
0x1a: {  	s8 =	sadd.s32 $0xFFFFE003, lr  }
0x1b: {  	s9 =	sadd.s32 $0xFFFFFEF7, lr;
	s5 =	simm.s32 $0xFFFFFFFF;
	p2 =	slt.u32 s8, $0xFFFFF086  }
0x1c: {  	p1 =	slt.u32 s9, $0xF7A;
	s5 =	simm.s32 @!p2 $0x0  }
0x1d: {  	s5 =	simm.s32 @p1 $0x1;
	p0 =	seq.s32 s7, s2  }
0x1e: {  	s7 =	smul.u32 @!p0 $0xF7A, s2;
	p2 =	seq.s32 @!p0 s5, $0x0  }
0x1f: {  	s9 =	smul.u32 $0xF7A, s1;
	s8 =	simm.s32 @!p0 $0x1BF5;
	p2 =	por !p2, p0  }
0x20: {  	[sflag:s8] =	ssyncset.s32 @!p0 $0xFFFFF086;
	s6 =	sadd.s32 @!p0 s3, s7;
	s7 =	simm.s32 @!p0 $0x108  }
0x21: {  	s3 =	sadd.s32 s3, s9;
	s6 =	sadd.s32 @!p0 $0x88, s6;
	s7 =	simm.s32 @p2 $0x1082  }
0x22: {  	[simem:s7], [sflag:s8] =	dma.local @!p0 [hbm:s6], $0xF7A  }
0x23: {  	s9 =	sor.u32 $0xD0000000, s2;
	s6 =	simm.s32 $0x108;
	_ =	swait.ge @!p0 [sflag:s8], $0x0  }
0x24: {  	s3 =	sadd.s32 $0x88, s3;
	s6 =	simm.s32 @!p1 $0x1082;
	[sflag:s4] =	ssyncset.s32 $0xFFFFF086  }
0x25: {  	[simem:s6], [sflag:s4] =	dma.local [hbm:s3], $0xF7A  }
0x26: {  	[smem:$0x3F9F] =	sst s1;
	(tag) =	ssettag s2;
	_ =	strace s9  }
0x27: {  	s1 =	sld [smem:$0x3FAF]  }
0x28: {  	s2 =	sld [smem:$0x3FB0]  }
0x29: {  	s4 =	sld [smem:$0x3FB2]  }
0x2a: {  	p0 =	seq.s32 s5, $0x0;
	s5 =	sld [smem:$0x3FB3]  }
0x2b: {  	s6 =	sld [smem:$0x3FB4]  }
0x2c: {  	s7 =	sld [smem:$0x3FB5]  }
0x2d: {  	s3 =	simm.s32 $0x108;
	s8 =	sld [smem:$0x3FB6]  }
0x2e: {  	s3 =	simm.s32 @!p0 $0x1082;
	s9 =	sld [smem:$0x3FB7]  }
0x2f: {  	lr =	sadd.s32 s0, s3;
	s0 =	sld [smem:$0x3FAE]  }
0x30: {  	s3 =	sld [smem:$0x3FB1]  }
0x31: {  	[smem:$0x3FBA] =	sst s10  }
0x32: {  	s10 =	sld [smem:$0x3FB8];
	_ =	sdelay $0x3  }
0x33: {  	p0 =	seq.s32 s10, $0x1;
	s10 =	sld [smem:$0x3FBA];
	_ =	sdelay $0x3  }
0x34: {  	[smem:$0x3FBA] =	sst s10  }
0x35: {  	s10 =	sld [smem:$0x3FB9];
	_ =	sdelay $0x3  }
0x36: {  	p1 =	seq.s32 s10, $0x1;
	s10 =	sld [smem:$0x3FBA];
	_ =	sdelay $0x3  }
0x37: {  	[smem:$0x3FBA] =	sst s10  }
0x38: {  	s10 =	sld [smem:$0x3FBB]  }
0x39: {  	_ = 	snop;
	(pc) =	sbr.ind lr, $3  }
0x3a: {  	_ = 	snop  }
0x3b: {  	_ = 	snop  }
0x3c: {  	p2 =	seq.s32 s10, $0x1;
	s10 =	sld [smem:$0x3FBA]  }
0x3d: {  	_ =	shalt  }
0x3e: {  	_ =	shalt  }
0x3f: {  	_ =	shalt  }
0x40: {  	_ =	shalt  }
0x41: {  	_ =	shalt  }
0x42: {  	_ =	shalt  }
0x43: {  	_ =	shalt  }
0x44: {  	_ =	shalt  }
0x45: {  	_ =	shalt  }
0x46: {  	_ =	shalt  }
0x47: {  	_ =	shalt  }
0x48: {  	_ =	shalt  }
0x49: {  	_ =	shalt  }
0x4a: {  	_ =	shalt  }
0x4b: {  	_ =	shalt  }
0x4c: {  	_ =	shalt  }
0x4d: {  	_ =	shalt  }
0x4e: {  	_ =	shalt  }
0x4f: {  	_ =	shalt  }
0x50: {  	_ =	shalt  }
0x51: {  	_ =	shalt  }
0x52: {  	_ =	shalt  }
0x53: {  	_ =	shalt  }
0x54: {  	_ =	shalt  }
0x55: {  	_ =	shalt  }
0x56: {  	_ =	shalt  }
0x57: {  	_ =	shalt  }
0x58: {  	_ =	shalt  }
0x59: {  	_ =	shalt  }
0x5a: {  	_ =	shalt  }
0x5b: {  	_ =	shalt  }
0x5c: {  	_ =	shalt  }
0x5d: {  	_ =	shalt  }
0x5e: {  	_ =	shalt  }
0x5f: {  	_ =	shalt  }
0x60: {  	_ =	shalt  }
0x61: {  	_ =	shalt  }
0x62: {  	_ =	shalt  }
0x63: {  	_ =	shalt  }
0x64: {  	_ =	shalt  }
0x65: {  	_ =	shalt  }
0x66: {  	_ =	shalt  }
0x67: {  	_ =	shalt  }
0x68: {  	_ =	shalt  }
0x69: {  	_ =	shalt  }
0x6a: {  	_ =	shalt  }
0x6b: {  	_ =	shalt  }
0x6c: {  	_ =	shalt  }
0x6d: {  	_ =	shalt  }
0x6e: {  	_ =	shalt  }
0x6f: {  	_ =	shalt  }
0x70: {  	_ =	shalt  }
0x71: {  	_ =	shalt  }
0x72: {  	_ =	shalt  }
0x73: {  	_ =	shalt  }
0x74: {  	_ =	shalt  }
0x75: {  	_ =	shalt  }
0x76: {  	_ =	shalt  }
0x77: {  	_ =	shalt  }
0x78: {  	_ =	shalt  }
0x79: {  	_ =	shalt  }
0x7a: {  	_ =	shalt  }
0x7b: {  	_ =	shalt  }
0x7c: {  	_ =	shalt  }
0x7d: {  	_ =	shalt  }
0x7e: {  	_ =	shalt  }
0x7f: {  	_ =	shalt  }
0x80: {  	_ =	shalt  }
0x81: {  	_ =	shalt  }
0x82: {  	_ =	shalt  }
0x83: {  	_ =	shalt  }
0x84: {  	_ =	shalt  }
0x85: {  	_ =	shalt  }
0x86: {  	_ =	shalt  }
0x87: {  	_ =	shalt  }
.Lfunc_end0:
.L_simem_size_0:
called_computation.1_lowered:
.L_overlay_start_0:
0x88: {  	s2 =	sld [smem:$0x3FD9]  }
0x89: {  	s3 =	sld [smem:$0x3FFE];
	_ =	sdelay $0x1  }
0x8a: {  	s1 =	srdreg.scid  }
0x8b: {  	s0 =	sand.u32 $0x1, s1  }
0x8c: {  	s17 =	sshll.u32 s0, $0xA;
	s2 =	sadd.s32 s3, s2  }
0x8d: {  	s2 =	sadd.s32 s2, s17  }
0x8e: {  	[smem:$0x3FC6] =	sst s2  }
0x8f: {  	_ = 	snop  }
0x90: {  	s2 =	sld [smem:$0x3FC8]  }
0x91: {  	s18 =	sld [smem:$0x3FD0];
	(tm) =	ssettm $0x1  }
0x92: {  	s4 =	sld [smem:$0x3FFB];
	_ =	sdelay $0x3  }
0x93: {  	_ =	strace s4  }
0x94: {  	s4 =	sld [smem:$0x3FFC];
	_ =	sdelay $0x3  }
0x95: {  	_ =	strace s4  }
0x96: {  	s4 =	sld [smem:$0x3FFD];
	_ =	sdelay $0x3  }
0x97: {  	_ =	strace s4  }
0x98: {  	_ =	strace $0x8FFFFFFF  }
0x99: {  	s19 =	sld [smem:$0x3FDB];
	_ =	sdelay $0x1  }
0x9a: {  	s5 =	simm.s32 $_scs_section_size  }
0x9b: {  	s6 =	simm.s32 $_size__tile_overlayer_lowered;
	s7 =	simm.s32 $_tile_overlayer_lowered  }
0x9c: {  	s22 =	simm.s32 $0x1BFF;
	s21 =	sshll.u32 s7, $0x1;
	s4 =	sadd.s32 s5, s19  }
0x9d: {  	s8 =	simm.s32 $0x0;
	s20 =	sshll.u32 s6, $0x1;
	s6 =	sadd.s32 s21, s4  }
0x9e: {  	[timem:s8], [sflag:s22] =	dma.local [hbm:s6], s20  }
0x9f: {  	_ =	swait.ge [sflag:s22], s20  }
0xa0: {  	s5 =	ssub.s32 $0x0, s20;
	[sflag:s22] =	ssyncset.done $0x0  }
0xa1: {  	[sflag:s22] =	ssyncadd.s32 s5;
	_ =	sdelay $0x1  }
0xa2: {  	s23 =	simm.s32 $0x1B8B  }
0xa3: {  	_ =	swait.ge [sflag:s23], $0x1  }
0xa4: {  	[sflag:s23] =	ssyncset.done $0x0  }
0xa5: {  	s25 =	simm.s32 $0x1B8E;
	s24 =	sld [smem:$0x3FFE];
	[sflag:s23] =	ssyncadd.s32 $0xFFFFFFFF  }
0xa6: {  	s26 =	simm.s32 $execute0_lowered;
	[smem:$0x3FD2] =	sst s25  }
0xa7: {  	s6 =	sshll.u32 s26, $0x1;
	_ =	strace $0x80000046;
	[dreg:$0x1] =	wrdreg $0xFFFFFFFF  }
0xa8: {  	s28 =	simm.s32 $_size_execute0_lowered;
	s4 =	sadd.s32 s4, s6;
	[dreg:$0x0] =	wrdreg $0x0  }
0xa9: {  	s6 =	sshll.u32 s28, $0x1;
	[dreg:$0x2] =	wrdreg s4  }
0xaa: {  	[dreg:$0x3] =	wrdreg s6  }
0xab: {  	[dreg:$0x4] =	wrdreg $0xC0  }
0xac: {  	_ =	task [dreg:s8], $0x5FFFF  }
0xad: {  	[dreg:$0x1] =	wrdreg $0xFFFFFFFF  }
0xae: {  	[dreg:$0x0] =	wrdreg $0x60  }
0xaf: {  	[dreg:$0x2] =	wrdreg s24  }
0xb0: {  	[dreg:$0x3] =	wrdreg s2  }
0xb1: {  	[dreg:$0x4] =	wrdreg s18  }
0xb2: {  	[dreg:$0x5] =	wrdreg $0x9  }
0xb3: {  	_ =	task.clear_ibuf [dreg:s8], $0x6FFFF;
	_ =	strace $0x90000046  }
0xb4: {  	s29 =	simm.s32 $0x9;
	_ =	strace $0x80000048  }
0xb5: {  	_ =	swait.ge [sflag:s29], $0x1  }
0xb6: {  	[sflag:s29] =	ssyncadd.s32 $0xFFFFFFFF  }
0xb7: {  	_ =	strace $0x90000048  }
0xb8: {  	_ =	sfence  }
0xb9: {  	s30 =	sld [smem:$0x0];
	_ =	sdelay $0x2  }
0xba: {  	s31 =	sshll.u32 s1, $0xD;
	s1 =	sshrl.u32 s1, $0x2  }
0xbb: {  	s3 =	sand.u32 $0x4000, s31;
	s1 =	sadd.s32 s1, s30  }
0xbc: {  	s0 =	sor.u32 s3, s0;
	s1 =	sshll.u32 s1, $0x11  }
0xbd: {  	s0 =	sor.u32 s1, s0  }
0xbe: {  	s0 =	sadd.s32 $0x8F2B, s0  }
0xbf: {  	[sflag:s0] =	ssyncadd.remote.s32 $0x1  }
0xc0: {  	_ =	sfence.sel $0xFFFF  }
0xc1: {  	[dreg:$0x0] =	wrdreg $0xFFFFFFFF;
	(pc) =	sbr.abs _section_cstart, $3  }
0xc2: {  	[dreg:$0x1] =	wrdreg $0xFFFFFFFF  }
0xc3: {  	_ =	task.clear_ibuf [dreg:s8], $0x2FFFF;
	_ =	strace $0x9FFFFFFF  }
0xc4: {  	(tm) =	ssettm $0x7FFFFFFF  }
0xc5: {  	_ =	shalt  }
tec
execute0_lowered:
.L_overlay_start_1:
0x0: {  	(tag) =	ssettag $0x1  }
0x1: {  	s1 =	rddreg [dreg:$0x0]  }
0x2: {  	s2 =	rddreg [dreg:$0x1];
	s4 =	srdreg.scid  }
0x3: {  	s0 =	stileid.u32;
	s3 =	rddreg [dreg:$0x2]  }
0x4: {  	s13 =	simm.s32 $0x5;
	s14 =	simm.s32 $0x80;
	s15 =	simm.s32 $0x1C00  }
0x5: {  	s16 =	simm.s32 $0x5C00;
	s17 =	simm.s32 $0x1;
	s18 =	simm.s32 $0x100  }
0x6: {  	s19 =	simm.s32 $0x9C00;
	s20 =	simm.s32 $0x2;
	s21 =	simm.s32 $0x180  }
0x7: {  	s22 =	simm.s32 $0xDC00;
	s5 =	sand.u32 $0x1, s4;
	s6 =	sshll.u32 s0, $0x1  }
0x8: {  	s23 =	simm.s32 $0x3;
	s24 =	simm.s32 $0x4;
	s6 =	sor.u32 s5, s6  }
0x9: {  	s25 =	simm.s32 $0x0;
	s4 =	simm.s32 $0x0;
	s7 =	smul.u32 $0x380, s6  }
0xa: {  	[smem:$0x7FF] =	sst s4;
	s5 =	ssub.s32 $0x2, s5;
	s8 =	smul.u32 $0xC8000, s6  }
0xb: {  	_ =	strace $0x80000047;
	s30 =	sshrl.u32 s5, $0x1;
	s9 =	smul.u32 $0x19000, s6  }
0xc: {  	s12 =	ssub.s32 s5, s30;
	s5 =	smul.u32 $0x32, s6;
	s1 =	sadd.s32 s7, s1  }
0xd: {  	s8 =	sshrl.u32 s8, $0x3;
	s7 =	sadd.s32 s3, s9;
	s12 =	smax.u32 s12, $0x1  }
0xe: {  	s6 =	sadd.s32 $0x800, s1;
	s31 =	sadd.s32 s3, s8;
	s8 =	sadd.s32 $0x800, s7  }
0xf: {  	s9 =	sor.u32 $0x1, s5;
	s10 =	sadd.s32 $0x18000, s31;
	s11 =	sadd.s32 $0x18800, s31  }
.LBB2_1:
0x10: {  	[tilespmem:s4], [sflag:$0x5] =	stream.linear.gather [hbm4b:s6+s4], $0x1900, $0x38;
	[tilespmem:$0x11C00] =	vst v63  }
0x11: {  	_ =	swait.ge [sflag:s13], $0x1900  }
0x12: {  	[sflag:s13] =	ssyncset.done $0x0  }
0x13: {  	[sflag:s13] =	ssyncadd.s32 $0xFFFFE700  }
0x14: {  	[tilespmem:s15], [sflag:$0x1] =	stream.indirect.gather [hbm4b:s2+s14], $0x80, s4, s14, $0xb8;
	[tilespmem:$0x11C00] =	vst v63  }
0x15: {  	_ = 	snop  }
0x16: {  	[tilespmem:s16], [sflag:$0x2] =	stream.indirect.gather [hbm4b:s2+s14], $0x80, s14, s14, $0xb8;
	[tilespmem:$0x11C00] =	vst v63  }
0x17: {  	_ =	swait.ge [sflag:s17], $0x4000  }
0x18: {  	[sflag:s17] =	ssyncset.done $0x0  }
0x19: {  	s28 =	simm.s32 $0x0;
	[sflag:s17] =	ssyncadd.s32 $0xFFFFC000  }
0x1a: {  	v1 =	vld [tilespmem:s28+$0x1C70]  }
0x1b: {  	v5 =	vld [tilespmem:s28+$0x1C00]  }
0x1c: {  	v6 =	vld [tilespmem:s28+$0x1C10]  }
0x1d: {  	v4 =	vld [tilespmem:s28+$0x1C20]  }
0x1e: {  	v3 =	vld [tilespmem:s28+$0x1C30]  }
0x1f: {  	v0 =	vld [tilespmem:s28+$0x1C40];
	v7 =	vmul.f32 $1.131370830e+01, v1  }
0x20: {  	v1 =	vld [tilespmem:s28+$0x1C50];
	v5 =	vmul.f32 $1.131370830e+01, v5  }
0x21: {  	s26 =	simm.s32 $0x80;
	s29 =	simm.s32 $0x400;
	v2 =	vld [tilespmem:s28+$0x1C60];
	v6 =	vmul.f32 $1.131370830e+01, v6;
	[tilespmem:s28+$0x9C70] =	vst v7  }
.LBB2_2:
0x22: {  	p0 =	sne.s32 s29, $0xFE00;
	v7 =	vld [tilespmem:s26+$0x1C70];
	[tilespmem:s28+$0x9C00] =	vst v5;
	v4 =	vmul.f32 $1.131370830e+01, v4  }
0x23: {  	v5 =	vld [tilespmem:s26+$0x1C00];
	[tilespmem:s28+$0x9C10] =	vst v6;
	v3 =	vmul.f32 $1.131370830e+01, v3  }
0x24: {  	v6 =	vld [tilespmem:s26+$0x1C10];
	[tilespmem:s28+$0x9C20] =	vst v4;
	v0 =	vmul.f32 $1.131370830e+01, v0  }
.Ltmp0:
0x25: {  	v4 =	vld [tilespmem:s26+$0x1C20];
	[tilespmem:s28+$0x9C30] =	vst v3;
	v1 =	vmul.f32 $1.131370830e+01, v1;
	(pc) =	sbr.rel @p0 .LBB2_2-.Ltmp0, $4  }
0x26: {  	v3 =	vld [tilespmem:s26+$0x1C30];
	[tilespmem:s28+$0x9C40] =	vst v0;
	v2 =	vmul.f32 $1.131370830e+01, v2  }
0x27: {  	v0 =	vld [tilespmem:s26+$0x1C40];
	v7 =	vmul.f32 $1.131370830e+01, v7;
	[tilespmem:s28+$0x9C50] =	vst v1  }
0x28: {  	v5 =	vmul.f32 $1.131370830e+01, v5;
	v1 =	vld [tilespmem:s26+$0x1C50];
	[tilespmem:s28+$0x9C60] =	vst v2;
	s28 =	smov.u32 s26  }
0x29: {  	s26 =	sshra.s32 s29, $0x2;
	s29 =	sadd.s32 $0x200, s29;
	v6 =	vmul.f32 $1.131370830e+01, v6;
	v2 =	vld [tilespmem:s28+$0x1C60];
	[tilespmem:s28+$0x9C70] =	vst v7  }
0x2a: {  	v7 =	vld [tilespmem:s26+$0x1C70];
	[tilespmem:s28+$0x9C00] =	vst v5;
	v4 =	vmul.f32 $1.131370830e+01, v4  }
0x2b: {  	v5 =	vld [tilespmem:s26+$0x1C00];
	[tilespmem:s28+$0x9C10] =	vst v6;
	v3 =	vmul.f32 $1.131370830e+01, v3  }
0x2c: {  	v6 =	vld [tilespmem:s26+$0x1C10];
	[tilespmem:s28+$0x9C20] =	vst v4;
	v0 =	vmul.f32 $1.131370830e+01, v0  }
0x2d: {  	v4 =	vld [tilespmem:s26+$0x1C20];
	[tilespmem:s28+$0x9C30] =	vst v3;
	v1 =	vmul.f32 $1.131370830e+01, v1  }
0x2e: {  	v3 =	vld [tilespmem:s26+$0x1C30];
	[tilespmem:s28+$0x9C40] =	vst v0;
	v2 =	vmul.f32 $1.131370830e+01, v2  }
0x2f: {  	v0 =	vld [tilespmem:s26+$0x1C40];
	[tilespmem:s28+$0x9C50] =	vst v1;
	v7 =	vmul.f32 $1.131370830e+01, v7  }
0x30: {  	v1 =	vld [tilespmem:s26+$0x1C50];
	[tilespmem:s28+$0x9C60] =	vst v2;
	v2 =	vmul.f32 $1.131370830e+01, v5  }
0x31: {  	v5 =	vld [tilespmem:s26+$0x1C60];
	v6 =	vmul.f32 $1.131370830e+01, v6;
	[tilespmem:s26+$0x9C70] =	vst v7  }
0x32: {  	[tilespmem:s26+$0x9C00] =	vst v2;
	v2 =	vmul.f32 $1.131370830e+01, v4  }
0x33: {  	[tilespmem:s26+$0x9C10] =	vst v6;
	v3 =	vmul.f32 $1.131370830e+01, v3  }
0x34: {  	[tilespmem:s26+$0x9C20] =	vst v2;
	v0 =	vmul.f32 $1.131370830e+01, v0  }
0x35: {  	[tilespmem:s26+$0x9C30] =	vst v3;
	v1 =	vmul.f32 $1.131370830e+01, v1  }
0x36: {  	[tilespmem:s26+$0x9C40] =	vst v0;
	v0 =	vmul.f32 $1.131370830e+01, v5  }
0x37: {  	[tilespmem:s26+$0x9C50] =	vst v1  }
0x38: {  	[tilespmem:s26+$0x9C60] =	vst v0  }
0x39: {  	[tilespmem:s15], [sflag:$0x1] =	stream.indirect.gather [hbm4b:s2+s14], $0x80, s18, s14, $0xb8;
	[tilespmem:$0x11C00] =	vst v63  }
0x3a: {  	s1 =	simm.s32 $0x0  }
0x3b: {  	[hbm4b:s7+s1] =	stream.linear.scatter [tilespmem:s19], [sflag:$0x3], $0x4000, $0x38;
	[tilespmem:$0x11C00] =	vst v63  }
0x3c: {  	_ =	swait.ge [sflag:s20], $0x4000  }
0x3d: {  	[sflag:s20] =	ssyncset.done $0x0  }
0x3e: {  	s28 =	simm.s32 $0x0;
	[sflag:s20] =	ssyncadd.s32 $0xFFFFC000  }
0x3f: {  	v1 =	vld [tilespmem:s28+$0x5C70]  }
0x40: {  	v5 =	vld [tilespmem:s28+$0x5C00]  }
0x41: {  	v6 =	vld [tilespmem:s28+$0x5C10]  }
0x42: {  	v4 =	vld [tilespmem:s28+$0x5C20]  }
0x43: {  	v3 =	vld [tilespmem:s28+$0x5C30]  }
0x44: {  	v0 =	vld [tilespmem:s28+$0x5C40];
	v7 =	vmul.f32 $1.131370830e+01, v1  }
0x45: {  	v1 =	vld [tilespmem:s28+$0x5C50];
	v5 =	vmul.f32 $1.131370830e+01, v5  }
0x46: {  	s29 =	simm.s32 $0x400;
	s26 =	simm.s32 $0x80;
	v2 =	vld [tilespmem:s28+$0x5C60];
	v6 =	vmul.f32 $1.131370830e+01, v6;
	[tilespmem:s28+$0xDC70] =	vst v7  }
.LBB2_4:
0x47: {  	p0 =	sne.s32 s29, $0xFE00;
	v7 =	vld [tilespmem:s26+$0x5C70];
	[tilespmem:s28+$0xDC00] =	vst v5;
	v4 =	vmul.f32 $1.131370830e+01, v4  }
0x48: {  	v5 =	vld [tilespmem:s26+$0x5C00];
	[tilespmem:s28+$0xDC10] =	vst v6;
	v3 =	vmul.f32 $1.131370830e+01, v3  }
0x49: {  	v6 =	vld [tilespmem:s26+$0x5C10];
	[tilespmem:s28+$0xDC20] =	vst v4;
	v0 =	vmul.f32 $1.131370830e+01, v0  }
.Ltmp1:
0x4a: {  	v4 =	vld [tilespmem:s26+$0x5C20];
	[tilespmem:s28+$0xDC30] =	vst v3;
	v1 =	vmul.f32 $1.131370830e+01, v1;
	(pc) =	sbr.rel @p0 .LBB2_4-.Ltmp1, $4  }
0x4b: {  	v3 =	vld [tilespmem:s26+$0x5C30];
	[tilespmem:s28+$0xDC40] =	vst v0;
	v2 =	vmul.f32 $1.131370830e+01, v2  }
0x4c: {  	v0 =	vld [tilespmem:s26+$0x5C40];
	v7 =	vmul.f32 $1.131370830e+01, v7;
	[tilespmem:s28+$0xDC50] =	vst v1  }
0x4d: {  	v5 =	vmul.f32 $1.131370830e+01, v5;
	v1 =	vld [tilespmem:s26+$0x5C50];
	[tilespmem:s28+$0xDC60] =	vst v2;
	s28 =	smov.u32 s26  }
0x4e: {  	s26 =	sshra.s32 s29, $0x2;
	s29 =	sadd.s32 $0x200, s29;
	v6 =	vmul.f32 $1.131370830e+01, v6;
	v2 =	vld [tilespmem:s28+$0x5C60];
	[tilespmem:s28+$0xDC70] =	vst v7  }
0x4f: {  	v7 =	vld [tilespmem:s26+$0x5C70];
	[tilespmem:s28+$0xDC00] =	vst v5;
	v4 =	vmul.f32 $1.131370830e+01, v4  }
0x50: {  	v5 =	vld [tilespmem:s26+$0x5C00];
	[tilespmem:s28+$0xDC10] =	vst v6;
	v3 =	vmul.f32 $1.131370830e+01, v3  }
0x51: {  	v6 =	vld [tilespmem:s26+$0x5C10];
	[tilespmem:s28+$0xDC20] =	vst v4;
	v0 =	vmul.f32 $1.131370830e+01, v0  }
0x52: {  	v4 =	vld [tilespmem:s26+$0x5C20];
	[tilespmem:s28+$0xDC30] =	vst v3;
	v1 =	vmul.f32 $1.131370830e+01, v1  }
0x53: {  	v3 =	vld [tilespmem:s26+$0x5C30];
	[tilespmem:s28+$0xDC40] =	vst v0;
	v2 =	vmul.f32 $1.131370830e+01, v2  }
0x54: {  	v0 =	vld [tilespmem:s26+$0x5C40];
	[tilespmem:s28+$0xDC50] =	vst v1;
	v7 =	vmul.f32 $1.131370830e+01, v7  }
0x55: {  	v1 =	vld [tilespmem:s26+$0x5C50];
	[tilespmem:s28+$0xDC60] =	vst v2;
	v60 =	vmul.f32 $1.131370830e+01, v5  }
0x56: {  	v61 =	vld [tilespmem:s26+$0x5C60];
	v6 =	vmul.f32 $1.131370830e+01, v6;
	[tilespmem:s26+$0xDC70] =	vst v7  }
0x57: {  	[tilespmem:s26+$0xDC00] =	vst v60;
	v62 =	vmul.f32 $1.131370830e+01, v4  }
0x58: {  	[tilespmem:s26+$0xDC10] =	vst v6;
	v3 =	vmul.f32 $1.131370830e+01, v3  }
0x59: {  	[tilespmem:s26+$0xDC20] =	vst v62;
	v0 =	vmul.f32 $1.131370830e+01, v0  }
0x5a: {  	[tilespmem:s26+$0xDC30] =	vst v3;
	v1 =	vmul.f32 $1.131370830e+01, v1  }
0x5b: {  	[tilespmem:s26+$0xDC40] =	vst v0;
	v63 =	vmul.f32 $1.131370830e+01, v61  }
0x5c: {  	[tilespmem:s26+$0xDC50] =	vst v1  }
0x5d: {  	[tilespmem:s26+$0xDC60] =	vst v63  }
0x5e: {  	[tilespmem:s16], [sflag:$0x2] =	stream.indirect.gather [hbm4b:s2+s14], $0x80, s21, s14, $0xb8;
	[tilespmem:$0x11C00] =	vst v63  }
0x5f: {  	s26 =	simm.s32 $0x1  }
0x60: {  	[hbm4b:s8+s4] =	stream.linear.scatter [tilespmem:s22], [sflag:$0x4], $0x4000, $0x38;
	[tilespmem:$0x11C00] =	vst v63  }
.LBB2_6:
0x61: {  	_ =	swait.ge [sflag:s17], $0x4000  }
0x62: {  	[sflag:s17] =	ssyncset.done $0x0  }
0x63: {  	[sflag:s17] =	ssyncadd.s32 $0xFFFFC000  }
0x64: {  	_ =	swait.ge [sflag:s23], $0x4000  }
0x65: {  	[sflag:s23] =	ssyncset.done $0x0  }
0x66: {  	s29 =	simm.s32 $0x0;
	[sflag:s23] =	ssyncadd.s32 $0xFFFFC000  }
0x67: {  	v1 =	vld [tilespmem:s29+$0x1C70]  }
0x68: {  	v5 =	vld [tilespmem:s29+$0x1C00]  }
0x69: {  	v6 =	vld [tilespmem:s29+$0x1C10]  }
0x6a: {  	v4 =	vld [tilespmem:s29+$0x1C20]  }
0x6b: {  	v3 =	vld [tilespmem:s29+$0x1C30]  }
0x6c: {  	v0 =	vld [tilespmem:s29+$0x1C40];
	v7 =	vmul.f32 $1.131370830e+01, v1  }
0x6d: {  	v1 =	vld [tilespmem:s29+$0x1C50];
	v5 =	vmul.f32 $1.131370830e+01, v5  }
0x6e: {  	s28 =	simm.s32 $0x80;
	s30 =	simm.s32 $0x400;
	v2 =	vld [tilespmem:s29+$0x1C60];
	v6 =	vmul.f32 $1.131370830e+01, v6;
	[tilespmem:s29+$0x9C70] =	vst v7  }
.LBB2_7:
0x6f: {  	p0 =	sne.s32 s30, $0xFE00;
	v7 =	vld [tilespmem:s28+$0x1C70];
	[tilespmem:s29+$0x9C00] =	vst v5;
	v4 =	vmul.f32 $1.131370830e+01, v4  }
0x70: {  	v5 =	vld [tilespmem:s28+$0x1C00];
	[tilespmem:s29+$0x9C10] =	vst v6;
	v3 =	vmul.f32 $1.131370830e+01, v3  }
0x71: {  	v6 =	vld [tilespmem:s28+$0x1C10];
	[tilespmem:s29+$0x9C20] =	vst v4;
	v0 =	vmul.f32 $1.131370830e+01, v0  }
.Ltmp2:
0x72: {  	v4 =	vld [tilespmem:s28+$0x1C20];
	[tilespmem:s29+$0x9C30] =	vst v3;
	v1 =	vmul.f32 $1.131370830e+01, v1;
	(pc) =	sbr.rel @p0 .LBB2_7-.Ltmp2, $4  }
0x73: {  	v3 =	vld [tilespmem:s28+$0x1C30];
	[tilespmem:s29+$0x9C40] =	vst v0;
	v2 =	vmul.f32 $1.131370830e+01, v2  }
0x74: {  	v0 =	vld [tilespmem:s28+$0x1C40];
	v7 =	vmul.f32 $1.131370830e+01, v7;
	[tilespmem:s29+$0x9C50] =	vst v1  }
0x75: {  	v5 =	vmul.f32 $1.131370830e+01, v5;
	v1 =	vld [tilespmem:s28+$0x1C50];
	[tilespmem:s29+$0x9C60] =	vst v2;
	s29 =	smov.u32 s28  }
0x76: {  	s28 =	sshra.s32 s30, $0x2;
	s30 =	sadd.s32 $0x200, s30;
	v6 =	vmul.f32 $1.131370830e+01, v6;
	v2 =	vld [tilespmem:s29+$0x1C60];
	[tilespmem:s29+$0x9C70] =	vst v7  }
0x77: {  	v7 =	vld [tilespmem:s28+$0x1C70];
	[tilespmem:s29+$0x9C00] =	vst v5;
	v4 =	vmul.f32 $1.131370830e+01, v4  }
0x78: {  	v5 =	vld [tilespmem:s28+$0x1C00];
	[tilespmem:s29+$0x9C10] =	vst v6;
	v3 =	vmul.f32 $1.131370830e+01, v3  }
0x79: {  	v6 =	vld [tilespmem:s28+$0x1C10];
	[tilespmem:s29+$0x9C20] =	vst v4;
	v0 =	vmul.f32 $1.131370830e+01, v0  }
0x7a: {  	v4 =	vld [tilespmem:s28+$0x1C20];
	[tilespmem:s29+$0x9C30] =	vst v3;
	v1 =	vmul.f32 $1.131370830e+01, v1  }
0x7b: {  	v3 =	vld [tilespmem:s28+$0x1C30];
	[tilespmem:s29+$0x9C40] =	vst v0;
	v2 =	vmul.f32 $1.131370830e+01, v2  }
0x7c: {  	v0 =	vld [tilespmem:s28+$0x1C40];
	[tilespmem:s29+$0x9C50] =	vst v1;
	v7 =	vmul.f32 $1.131370830e+01, v7  }
0x7d: {  	v1 =	vld [tilespmem:s28+$0x1C50];
	[tilespmem:s29+$0x9C60] =	vst v2;
	v2 =	vmul.f32 $1.131370830e+01, v5  }
0x7e: {  	v5 =	vld [tilespmem:s28+$0x1C60];
	v6 =	vmul.f32 $1.131370830e+01, v6;
	[tilespmem:s28+$0x9C70] =	vst v7  }
0x7f: {  	[tilespmem:s28+$0x9C00] =	vst v2;
	v2 =	vmul.f32 $1.131370830e+01, v4  }
0x80: {  	[tilespmem:s28+$0x9C10] =	vst v6;
	v3 =	vmul.f32 $1.131370830e+01, v3  }
0x81: {  	[tilespmem:s28+$0x9C20] =	vst v2;
	v0 =	vmul.f32 $1.131370830e+01, v0  }
0x82: {  	[tilespmem:s28+$0x9C30] =	vst v3;
	v1 =	vmul.f32 $1.131370830e+01, v1  }
0x83: {  	s1 =	sshll.u32 s26, $0x8;
	[tilespmem:s28+$0x9C40] =	vst v0;
	v0 =	vmul.f32 $1.131370830e+01, v5  }
0x84: {  	s29 =	sand.u32 $0x3FFFFF00, s1;
	[tilespmem:s28+$0x9C50] =	vst v1  }
0x85: {  	s1 =	sadd.s32 $0x100, s29;
	[tilespmem:s28+$0x9C60] =	vst v0;
	s28 =	sshll.u32 s26, $0x1  }
0x86: {  	[tilespmem:s15], [sflag:$0x1] =	stream.indirect.gather [hbm4b:s2+s14], $0x80, s1, s14, $0xb8;
	[tilespmem:$0x11C00] =	vst v63  }
0x87: {  	s1 =	sadd.s32 s5, s28  }
0x88: {  	s1 =	sshll.u32 s1, $0xB  }
0x89: {  	s1 =	sand.u32 $0x1FFFF000, s1  }
0x8a: {  	s30 =	simm.s32 $0x0;
	s1 =	sadd.s32 s3, s1  }
0x8b: {  	[hbm4b:s1+s30] =	stream.linear.scatter [tilespmem:s19], [sflag:$0x3], $0x4000, $0x38;
	[tilespmem:$0x11C00] =	vst v63  }
0x8c: {  	_ =	swait.ge [sflag:s20], $0x4000  }
0x8d: {  	[sflag:s20] =	ssyncset.done $0x0  }
0x8e: {  	[sflag:s20] =	ssyncadd.s32 $0xFFFFC000  }
0x8f: {  	_ =	swait.ge [sflag:s24], $0x4000  }
0x90: {  	[sflag:s24] =	ssyncset.done $0x0  }
0x91: {  	s31 =	simm.s32 $0x0;
	[sflag:s24] =	ssyncadd.s32 $0xFFFFC000  }
0x92: {  	v1 =	vld [tilespmem:s31+$0x5C70]  }
0x93: {  	v5 =	vld [tilespmem:s31+$0x5C00]  }
0x94: {  	v6 =	vld [tilespmem:s31+$0x5C10]  }
0x95: {  	v4 =	vld [tilespmem:s31+$0x5C20]  }
0x96: {  	v3 =	vld [tilespmem:s31+$0x5C30]  }
0x97: {  	v0 =	vld [tilespmem:s31+$0x5C40];
	v7 =	vmul.f32 $1.131370830e+01, v1  }
0x98: {  	v1 =	vld [tilespmem:s31+$0x5C50];
	v5 =	vmul.f32 $1.131370830e+01, v5  }
0x99: {  	s30 =	simm.s32 $0x80;
	s1 =	simm.s32 $0x400;
	v2 =	vld [tilespmem:s31+$0x5C60];
	v6 =	vmul.f32 $1.131370830e+01, v6;
	[tilespmem:s31+$0xDC70] =	vst v7  }
.LBB2_9:
0x9a: {  	p0 =	sne.s32 s1, $0xFE00;
	v7 =	vld [tilespmem:s30+$0x5C70];
	[tilespmem:s31+$0xDC00] =	vst v5;
	v4 =	vmul.f32 $1.131370830e+01, v4  }
0x9b: {  	v5 =	vld [tilespmem:s30+$0x5C00];
	[tilespmem:s31+$0xDC10] =	vst v6;
	v3 =	vmul.f32 $1.131370830e+01, v3  }
0x9c: {  	v6 =	vld [tilespmem:s30+$0x5C10];
	[tilespmem:s31+$0xDC20] =	vst v4;
	v0 =	vmul.f32 $1.131370830e+01, v0  }
.Ltmp3:
0x9d: {  	v4 =	vld [tilespmem:s30+$0x5C20];
	[tilespmem:s31+$0xDC30] =	vst v3;
	v1 =	vmul.f32 $1.131370830e+01, v1;
	(pc) =	sbr.rel @p0 .LBB2_9-.Ltmp3, $4  }
0x9e: {  	v3 =	vld [tilespmem:s30+$0x5C30];
	[tilespmem:s31+$0xDC40] =	vst v0;
	v2 =	vmul.f32 $1.131370830e+01, v2  }
0x9f: {  	v0 =	vld [tilespmem:s30+$0x5C40];
	v7 =	vmul.f32 $1.131370830e+01, v7;
	[tilespmem:s31+$0xDC50] =	vst v1  }
0xa0: {  	v5 =	vmul.f32 $1.131370830e+01, v5;
	v1 =	vld [tilespmem:s30+$0x5C50];
	[tilespmem:s31+$0xDC60] =	vst v2;
	s31 =	smov.u32 s30  }
0xa1: {  	s30 =	sshra.s32 s1, $0x2;
	s1 =	sadd.s32 $0x200, s1;
	v6 =	vmul.f32 $1.131370830e+01, v6;
	v2 =	vld [tilespmem:s31+$0x5C60];
	[tilespmem:s31+$0xDC70] =	vst v7  }
0xa2: {  	v7 =	vld [tilespmem:s30+$0x5C70];
	[tilespmem:s31+$0xDC00] =	vst v5;
	v4 =	vmul.f32 $1.131370830e+01, v4  }
0xa3: {  	v5 =	vld [tilespmem:s30+$0x5C00];
	[tilespmem:s31+$0xDC10] =	vst v6;
	v3 =	vmul.f32 $1.131370830e+01, v3  }
0xa4: {  	v6 =	vld [tilespmem:s30+$0x5C10];
	[tilespmem:s31+$0xDC20] =	vst v4;
	v0 =	vmul.f32 $1.131370830e+01, v0  }
0xa5: {  	v4 =	vld [tilespmem:s30+$0x5C20];
	[tilespmem:s31+$0xDC30] =	vst v3;
	v1 =	vmul.f32 $1.131370830e+01, v1  }
0xa6: {  	v3 =	vld [tilespmem:s30+$0x5C30];
	[tilespmem:s31+$0xDC40] =	vst v0;
	v2 =	vmul.f32 $1.131370830e+01, v2  }
0xa7: {  	v0 =	vld [tilespmem:s30+$0x5C40];
	[tilespmem:s31+$0xDC50] =	vst v1;
	v7 =	vmul.f32 $1.131370830e+01, v7  }
0xa8: {  	v1 =	vld [tilespmem:s30+$0x5C50];
	[tilespmem:s31+$0xDC60] =	vst v2;
	v60 =	vmul.f32 $1.131370830e+01, v5  }
0xa9: {  	v61 =	vld [tilespmem:s30+$0x5C60];
	v6 =	vmul.f32 $1.131370830e+01, v6;
	[tilespmem:s30+$0xDC70] =	vst v7  }
0xaa: {  	[tilespmem:s30+$0xDC00] =	vst v60;
	v62 =	vmul.f32 $1.131370830e+01, v4  }
0xab: {  	[tilespmem:s30+$0xDC10] =	vst v6;
	v3 =	vmul.f32 $1.131370830e+01, v3  }
0xac: {  	[tilespmem:s30+$0xDC20] =	vst v62;
	v0 =	vmul.f32 $1.131370830e+01, v0  }
0xad: {  	[tilespmem:s30+$0xDC30] =	vst v3;
	v1 =	vmul.f32 $1.131370830e+01, v1  }
0xae: {  	[tilespmem:s30+$0xDC40] =	vst v0;
	v63 =	vmul.f32 $1.131370830e+01, v61  }
0xaf: {  	s26 =	sadd.s32 $0x1, s26;
	[tilespmem:s30+$0xDC50] =	vst v1  }
0xb0: {  	s1 =	sadd.s32 $0x180, s29;
	p0 =	sne.s32 s26, $0x18;
	[tilespmem:s30+$0xDC60] =	vst v63  }
0xb1: {  	[tilespmem:s16], [sflag:$0x2] =	stream.indirect.gather [hbm4b:s2+s14], $0x80, s1, s14, $0xb8;
	[tilespmem:$0x11C00] =	vst v63  }
.Ltmp4:
0xb2: {  	s31 =	sadd.s32 s28, s9;
	(pc) =	sbr.rel @p0 .LBB2_6-.Ltmp4, $4  }
0xb3: {  	s1 =	sshll.u32 s31, $0xB  }
0xb4: {  	s1 =	sand.u32 $0x1FFFF800, s1  }
0xb5: {  	s1 =	sadd.s32 s3, s1  }
0xb6: {  	[hbm4b:s1+s4] =	stream.linear.scatter [tilespmem:s22], [sflag:$0x4], $0x4000, $0x38;
	[tilespmem:$0x11C00] =	vst v63  }
0xb7: {  	_ =	swait.ge [sflag:s17], $0x4000  }
0xb8: {  	[sflag:s17] =	ssyncset.done $0x0  }
0xb9: {  	[sflag:s17] =	ssyncadd.s32 $0xFFFFC000  }
0xba: {  	_ =	swait.ge [sflag:s23], $0x4000  }
0xbb: {  	[sflag:s23] =	ssyncset.done $0x0  }
0xbc: {  	s28 =	simm.s32 $0x0;
	[sflag:s23] =	ssyncadd.s32 $0xFFFFC000  }
0xbd: {  	v1 =	vld [tilespmem:s28+$0x1C70]  }
0xbe: {  	v5 =	vld [tilespmem:s28+$0x1C00]  }
0xbf: {  	v6 =	vld [tilespmem:s28+$0x1C10]  }
0xc0: {  	v4 =	vld [tilespmem:s28+$0x1C20]  }
0xc1: {  	v3 =	vld [tilespmem:s28+$0x1C30]  }
0xc2: {  	v0 =	vld [tilespmem:s28+$0x1C40];
	v7 =	vmul.f32 $1.131370830e+01, v1  }
0xc3: {  	v1 =	vld [tilespmem:s28+$0x1C50];
	v5 =	vmul.f32 $1.131370830e+01, v5  }
0xc4: {  	s26 =	simm.s32 $0x80;
	s1 =	simm.s32 $0x400;
	v2 =	vld [tilespmem:s28+$0x1C60];
	v6 =	vmul.f32 $1.131370830e+01, v6;
	[tilespmem:s28+$0x9C70] =	vst v7  }
.LBB2_12:
0xc5: {  	p0 =	sne.s32 s1, $0xFE00;
	v7 =	vld [tilespmem:s26+$0x1C70];
	[tilespmem:s28+$0x9C00] =	vst v5;
	v4 =	vmul.f32 $1.131370830e+01, v4  }
0xc6: {  	v5 =	vld [tilespmem:s26+$0x1C00];
	[tilespmem:s28+$0x9C10] =	vst v6;
	v3 =	vmul.f32 $1.131370830e+01, v3  }
0xc7: {  	v6 =	vld [tilespmem:s26+$0x1C10];
	[tilespmem:s28+$0x9C20] =	vst v4;
	v0 =	vmul.f32 $1.131370830e+01, v0  }
.Ltmp5:
0xc8: {  	v4 =	vld [tilespmem:s26+$0x1C20];
	[tilespmem:s28+$0x9C30] =	vst v3;
	v1 =	vmul.f32 $1.131370830e+01, v1;
	(pc) =	sbr.rel @p0 .LBB2_12-.Ltmp5, $4  }
0xc9: {  	v3 =	vld [tilespmem:s26+$0x1C30];
	[tilespmem:s28+$0x9C40] =	vst v0;
	v2 =	vmul.f32 $1.131370830e+01, v2  }
0xca: {  	v0 =	vld [tilespmem:s26+$0x1C40];
	v7 =	vmul.f32 $1.131370830e+01, v7;
	[tilespmem:s28+$0x9C50] =	vst v1  }
0xcb: {  	v5 =	vmul.f32 $1.131370830e+01, v5;
	v1 =	vld [tilespmem:s26+$0x1C50];
	[tilespmem:s28+$0x9C60] =	vst v2;
	s28 =	smov.u32 s26  }
0xcc: {  	s26 =	sshra.s32 s1, $0x2;
	s1 =	sadd.s32 $0x200, s1;
	v6 =	vmul.f32 $1.131370830e+01, v6;
	v2 =	vld [tilespmem:s28+$0x1C60];
	[tilespmem:s28+$0x9C70] =	vst v7  }
0xcd: {  	v7 =	vld [tilespmem:s26+$0x1C70];
	[tilespmem:s28+$0x9C00] =	vst v5;
	v4 =	vmul.f32 $1.131370830e+01, v4  }
0xce: {  	v5 =	vld [tilespmem:s26+$0x1C00];
	[tilespmem:s28+$0x9C10] =	vst v6;
	v3 =	vmul.f32 $1.131370830e+01, v3  }
0xcf: {  	v6 =	vld [tilespmem:s26+$0x1C10];
	[tilespmem:s28+$0x9C20] =	vst v4;
	v0 =	vmul.f32 $1.131370830e+01, v0  }
0xd0: {  	v4 =	vld [tilespmem:s26+$0x1C20];
	[tilespmem:s28+$0x9C30] =	vst v3;
	v1 =	vmul.f32 $1.131370830e+01, v1  }
0xd1: {  	v3 =	vld [tilespmem:s26+$0x1C30];
	[tilespmem:s28+$0x9C40] =	vst v0;
	v2 =	vmul.f32 $1.131370830e+01, v2  }
0xd2: {  	v0 =	vld [tilespmem:s26+$0x1C40];
	[tilespmem:s28+$0x9C50] =	vst v1;
	v7 =	vmul.f32 $1.131370830e+01, v7  }
0xd3: {  	v1 =	vld [tilespmem:s26+$0x1C50];
	[tilespmem:s28+$0x9C60] =	vst v2;
	v2 =	vmul.f32 $1.131370830e+01, v5  }
0xd4: {  	v5 =	vld [tilespmem:s26+$0x1C60];
	v6 =	vmul.f32 $1.131370830e+01, v6;
	[tilespmem:s26+$0x9C70] =	vst v7  }
0xd5: {  	[tilespmem:s26+$0x9C00] =	vst v2;
	v2 =	vmul.f32 $1.131370830e+01, v4  }
0xd6: {  	[tilespmem:s26+$0x9C10] =	vst v6;
	v3 =	vmul.f32 $1.131370830e+01, v3  }
0xd7: {  	[tilespmem:s26+$0x9C20] =	vst v2;
	v0 =	vmul.f32 $1.131370830e+01, v0  }
0xd8: {  	[tilespmem:s26+$0x9C30] =	vst v3;
	v1 =	vmul.f32 $1.131370830e+01, v1  }
0xd9: {  	[tilespmem:s26+$0x9C40] =	vst v0;
	v0 =	vmul.f32 $1.131370830e+01, v5  }
0xda: {  	[tilespmem:s26+$0x9C50] =	vst v1  }
0xdb: {  	s1 =	simm.s32 $0x0;
	[tilespmem:s26+$0x9C60] =	vst v0  }
0xdc: {  	[hbm4b:s10+s1] =	stream.linear.scatter [tilespmem:s19], [sflag:$0x3], $0x4000, $0x38;
	[tilespmem:$0x11C00] =	vst v63  }
0xdd: {  	_ =	swait.ge [sflag:s20], $0x4000  }
0xde: {  	[sflag:s20] =	ssyncset.done $0x0  }
0xdf: {  	[sflag:s20] =	ssyncadd.s32 $0xFFFFC000  }
0xe0: {  	_ =	swait.ge [sflag:s24], $0x4000  }
0xe1: {  	[sflag:s24] =	ssyncset.done $0x0  }
0xe2: {  	s28 =	simm.s32 $0x0;
	[sflag:s24] =	ssyncadd.s32 $0xFFFFC000  }
0xe3: {  	v1 =	vld [tilespmem:s28+$0x5C70]  }
0xe4: {  	v5 =	vld [tilespmem:s28+$0x5C00]  }
0xe5: {  	v6 =	vld [tilespmem:s28+$0x5C10]  }
0xe6: {  	v4 =	vld [tilespmem:s28+$0x5C20]  }
0xe7: {  	v3 =	vld [tilespmem:s28+$0x5C30]  }
0xe8: {  	v0 =	vld [tilespmem:s28+$0x5C40];
	v7 =	vmul.f32 $1.131370830e+01, v1  }
0xe9: {  	v1 =	vld [tilespmem:s28+$0x5C50];
	v5 =	vmul.f32 $1.131370830e+01, v5  }
0xea: {  	s26 =	simm.s32 $0x80;
	s1 =	simm.s32 $0x400;
	v2 =	vld [tilespmem:s28+$0x5C60];
	v6 =	vmul.f32 $1.131370830e+01, v6;
	[tilespmem:s28+$0xDC70] =	vst v7  }
.LBB2_14:
0xeb: {  	p0 =	sne.s32 s1, $0xFE00;
	v7 =	vld [tilespmem:s26+$0x5C70];
	[tilespmem:s28+$0xDC00] =	vst v5;
	v4 =	vmul.f32 $1.131370830e+01, v4  }
0xec: {  	v5 =	vld [tilespmem:s26+$0x5C00];
	[tilespmem:s28+$0xDC10] =	vst v6;
	v3 =	vmul.f32 $1.131370830e+01, v3  }
0xed: {  	v6 =	vld [tilespmem:s26+$0x5C10];
	[tilespmem:s28+$0xDC20] =	vst v4;
	v0 =	vmul.f32 $1.131370830e+01, v0  }
.Ltmp6:
0xee: {  	v4 =	vld [tilespmem:s26+$0x5C20];
	[tilespmem:s28+$0xDC30] =	vst v3;
	v1 =	vmul.f32 $1.131370830e+01, v1;
	(pc) =	sbr.rel @p0 .LBB2_14-.Ltmp6, $4  }
0xef: {  	v3 =	vld [tilespmem:s26+$0x5C30];
	[tilespmem:s28+$0xDC40] =	vst v0;
	v2 =	vmul.f32 $1.131370830e+01, v2  }
0xf0: {  	v0 =	vld [tilespmem:s26+$0x5C40];
	v7 =	vmul.f32 $1.131370830e+01, v7;
	[tilespmem:s28+$0xDC50] =	vst v1  }
0xf1: {  	v5 =	vmul.f32 $1.131370830e+01, v5;
	v1 =	vld [tilespmem:s26+$0x5C50];
	[tilespmem:s28+$0xDC60] =	vst v2;
	s28 =	smov.u32 s26  }
0xf2: {  	s26 =	sshra.s32 s1, $0x2;
	s1 =	sadd.s32 $0x200, s1;
	v6 =	vmul.f32 $1.131370830e+01, v6;
	v2 =	vld [tilespmem:s28+$0x5C60];
	[tilespmem:s28+$0xDC70] =	vst v7  }
0xf3: {  	v7 =	vld [tilespmem:s26+$0x5C70];
	[tilespmem:s28+$0xDC00] =	vst v5;
	v4 =	vmul.f32 $1.131370830e+01, v4  }
0xf4: {  	v5 =	vld [tilespmem:s26+$0x5C00];
	[tilespmem:s28+$0xDC10] =	vst v6;
	v3 =	vmul.f32 $1.131370830e+01, v3  }
0xf5: {  	v6 =	vld [tilespmem:s26+$0x5C10];
	[tilespmem:s28+$0xDC20] =	vst v4;
	v0 =	vmul.f32 $1.131370830e+01, v0  }
0xf6: {  	v4 =	vld [tilespmem:s26+$0x5C20];
	[tilespmem:s28+$0xDC30] =	vst v3;
	v1 =	vmul.f32 $1.131370830e+01, v1  }
0xf7: {  	v3 =	vld [tilespmem:s26+$0x5C30];
	[tilespmem:s28+$0xDC40] =	vst v0;
	v2 =	vmul.f32 $1.131370830e+01, v2  }
0xf8: {  	v0 =	vld [tilespmem:s26+$0x5C40];
	[tilespmem:s28+$0xDC50] =	vst v1;
	v7 =	vmul.f32 $1.131370830e+01, v7  }
0xf9: {  	v1 =	vld [tilespmem:s26+$0x5C50];
	[tilespmem:s28+$0xDC60] =	vst v2;
	v60 =	vmul.f32 $1.131370830e+01, v5  }
0xfa: {  	v61 =	vld [tilespmem:s26+$0x5C60];
	v6 =	vmul.f32 $1.131370830e+01, v6;
	[tilespmem:s26+$0xDC70] =	vst v7  }
0xfb: {  	[tilespmem:s26+$0xDC00] =	vst v60;
	v62 =	vmul.f32 $1.131370830e+01, v4  }
0xfc: {  	[tilespmem:s26+$0xDC10] =	vst v6;
	v3 =	vmul.f32 $1.131370830e+01, v3  }
0xfd: {  	[tilespmem:s26+$0xDC20] =	vst v62;
	v0 =	vmul.f32 $1.131370830e+01, v0  }
0xfe: {  	[tilespmem:s26+$0xDC30] =	vst v3;
	v1 =	vmul.f32 $1.131370830e+01, v1  }
0xff: {  	[tilespmem:s26+$0xDC40] =	vst v0;
	v63 =	vmul.f32 $1.131370830e+01, v61  }
0x100: {  	[tilespmem:s26+$0xDC50] =	vst v1  }
0x101: {  	s25 =	sadd.s32 $0x1, s25;
	[tilespmem:s26+$0xDC60] =	vst v63  }
0x102: {  	[hbm4b:s11+s4] =	stream.linear.scatter [tilespmem:s22], [sflag:$0x4], $0x4000, $0x38;
	[tilespmem:$0x11C00] =	vst v63  }
0x103: {  	p0 =	sne.s32 s25, s12;
	_ =	swait.ge [sflag:s23], $0x4000  }
.Ltmp7:
0x104: {  	[sflag:s23] =	ssyncset.done $0x0;
	(pc) =	sbr.rel @p0 .LBB2_1-.Ltmp7, $4  }
0x105: {  	[sflag:s23] =	ssyncadd.s32 $0xFFFFC000  }
0x106: {  	_ =	swait.ge [sflag:s24], $0x4000  }
0x107: {  	[sflag:s24] =	ssyncset.done $0x0  }
0x108: {  	[sflag:s24] =	ssyncadd.s32 $0xFFFFC000  }
0x109: {  	_ =	sfence.sel $0x180000  }
0x10a: {  	[bflag:$0x0] =	sbarrier.arrive $0xFFFF  }
0x10b: {  	_ =	strace $0x90000047  }
0x10c: {  	[bflag:$0x2] =	sbarrier.arrive $0xFFFF  }
0x10d: {  	p0 =	sne.s32 s0, $0x0;
	s0 =	rddreg [dreg:$0x3]  }
0x10e: {  	s0 =	sadd.s32 @!p0 $0x100000, s0  }
0x10f: {  	[sflag:s0] =	ssyncadd.tile.s32 @!p0 $0x1;
	_ =	shalt  }
.Lfunc_end2:
_tile_overlayer_lowered:
.L_overlay_start_2:
0x110: {  	(tag) =	ssettag $0x2  }
0x111: {  	s0 =	rddreg [dreg:$0x0];
	s2 =	stileid.u32  }
0x112: {  	s1 =	rddreg [dreg:$0x1];
	p0 =	sne.s32 s2, $0x0  }
0x113: {  	s3 =	rddreg [dreg:$0x2];
	[bflag:$0x3] =	sbarrier.arrive $0xFFFF;
	s2 =	simm.s32 @!p0 $0x1C05  }
0x114: {  	[timem:s3], [sflag:s2] =	dma.local @!p0 [hbm:s0], s1  }
0x115: {  	s0 =	simm.s32 @!p0 $0x5  }
0x116: {  	_ =	swait.ge @!p0 [sflag:s0], s1  }
0x117: {  	s1 =	ssub.s32 @!p0 $0x0, s1;
	[sflag:s0] =	ssyncset.done @!p0 $0x0  }
0x118: {  	[sflag:s0] =	ssyncadd.s32 @!p0 s1  }
0x119: {  	[bflag:$0x3] =	sbarrier.arrive $0xFFFF  }
0x11a: {  	_ =	shalt  }

// kernel: sparse-core-data-format-call.cloned.1.call-start
scs
called_computation_lowered:
.L_overlay_start_0:
0x0: {  	s2 =	sld [smem:$0x3FD9]  }
0x1: {  	s3 =	sld [smem:$0x3FFE];
	_ =	sdelay $0x1  }
0x2: {  	s1 =	srdreg.scid  }
0x3: {  	s0 =	sand.u32 $0x1, s1  }
0x4: {  	s18 =	sshll.u32 s0, $0xA;
	s2 =	sadd.s32 s3, s2  }
0x5: {  	s2 =	sadd.s32 s2, s18  }
0x6: {  	[smem:$0x3FC6] =	sst s2  }
0x7: {  	_ = 	snop  }
0x8: {  	s2 =	sld [smem:$0x3FD0];
	(tm) =	ssettm $0x1  }
0x9: {  	s19 =	sld [smem:$0x3FFB];
	_ =	sdelay $0x3  }
0xa: {  	_ =	strace s19  }
0xb: {  	s3 =	sld [smem:$0x3FFC];
	_ =	sdelay $0x3  }
0xc: {  	_ =	strace s3  }
0xd: {  	s3 =	sld [smem:$0x3FFD];
	_ =	sdelay $0x3  }
0xe: {  	_ =	strace s3  }
0xf: {  	_ =	strace $0x8FFFFFFF  }
0x10: {  	s20 =	sld [smem:$0x3FDB];
	_ =	sdelay $0x1  }
0x11: {  	s4 =	simm.s32 $_scs_section_size  }
0x12: {  	s5 =	simm.s32 $_size__tile_overlayer_lowered;
	s6 =	simm.s32 $_tile_overlayer_lowered  }
0x13: {  	s23 =	simm.s32 $0x1BFF;
	s22 =	sshll.u32 s6, $0x1;
	s3 =	sadd.s32 s4, s20  }
0x14: {  	s7 =	simm.s32 $0x0;
	s21 =	sshll.u32 s5, $0x1;
	s5 =	sadd.s32 s22, s3  }
0x15: {  	[timem:s7], [sflag:s23] =	dma.local [hbm:s5], s21  }
0x16: {  	_ =	swait.ge [sflag:s23], s21  }
0x17: {  	s4 =	ssub.s32 $0x0, s21;
	[sflag:s23] =	ssyncset.done $0x0  }
0x18: {  	[sflag:s23] =	ssyncadd.s32 s4;
	_ =	sdelay $0x1  }
0x19: {  	s24 =	simm.s32 $0x1B8B  }
0x1a: {  	_ =	swait.ge [sflag:s24], $0x1  }
0x1b: {  	[sflag:s24] =	ssyncset.done $0x0  }
0x1c: {  	s26 =	simm.s32 $0x1B8E;
	s25 =	sld [smem:$0x3FFE];
	[sflag:s24] =	ssyncadd.s32 $0xFFFFFFFF  }
0x1d: {  	s27 =	simm.s32 $execute0_lowered;
	[smem:$0x3FD2] =	sst s26  }
0x1e: {  	s5 =	sshll.u32 s27, $0x1;
	_ =	strace $0x80000049;
	[dreg:$0x1] =	wrdreg $0xFFFFFFFF  }
0x1f: {  	s28 =	simm.s32 $_size_execute0_lowered;
	s3 =	sadd.s32 s3, s5;
	[dreg:$0x0] =	wrdreg $0x0  }
0x20: {  	s5 =	sshll.u32 s28, $0x1;
	[dreg:$0x2] =	wrdreg s3  }
0x21: {  	[dreg:$0x3] =	wrdreg s5  }
0x22: {  	[dreg:$0x4] =	wrdreg $0xC0  }
0x23: {  	_ =	task [dreg:s7], $0x5FFFF  }
0x24: {  	[dreg:$0x1] =	wrdreg $0xFFFFFFFF  }
0x25: {  	[dreg:$0x0] =	wrdreg $0x60  }
0x26: {  	[dreg:$0x2] =	wrdreg s25  }
0x27: {  	[dreg:$0x3] =	wrdreg s2  }
0x28: {  	[dreg:$0x4] =	wrdreg $0x9  }
0x29: {  	_ =	task.clear_ibuf [dreg:s7], $0x5FFFF;
	_ =	strace $0x90000049  }
0x2a: {  	s29 =	simm.s32 $0x9;
	_ =	strace $0x8000004B  }
0x2b: {  	_ =	swait.ge [sflag:s29], $0x1  }
0x2c: {  	[sflag:s29] =	ssyncadd.s32 $0xFFFFFFFF  }
0x2d: {  	_ =	strace $0x9000004B  }
0x2e: {  	_ =	sfence  }
0x2f: {  	s30 =	sld [smem:$0x0];
	_ =	sdelay $0x2  }
0x30: {  	s31 =	sshll.u32 s1, $0xD;
	s1 =	sshrl.u32 s1, $0x2  }
0x31: {  	s3 =	sand.u32 $0x4000, s31;
	s1 =	sadd.s32 s1, s30  }
0x32: {  	s0 =	sor.u32 s3, s0;
	s1 =	sshll.u32 s1, $0x11  }
0x33: {  	s0 =	sor.u32 s1, s0  }
0x34: {  	s0 =	sadd.s32 $0x8F2B, s0  }
0x35: {  	[sflag:s0] =	ssyncadd.remote.s32 $0x1  }
0x36: {  	_ =	sfence.sel $0xFFFF  }
0x37: {  	[dreg:$0x0] =	wrdreg $0xFFFFFFFF;
	(pc) =	sbr.abs _section_cstart, $3  }
0x38: {  	[dreg:$0x1] =	wrdreg $0xFFFFFFFF  }
0x39: {  	_ =	task.clear_ibuf [dreg:s7], $0x2FFFF;
	_ =	strace $0x9FFFFFFF  }
0x3a: {  	(tm) =	ssettm $0x7FFFFFFF  }
0x3b: {  	_ =	shalt  }
tec
execute0_lowered:
.L_overlay_start_1:
0x0: {  	(tag) =	ssettag $0x1  }
0x1: {  	s0 =	srdreg.scid  }
0x2: {  	s1 =	sshll.u32 s0, $0x4  }
0x3: {  	s0 =	stileid.u32;
	s1 =	sand.u32 $0x10, s1  }
0x4: {  	s1 =	sor.u32 s0, s1  }
0x5: {  	s6 =	rddreg [dreg:$0x0];
	s4 =	simm.s32 $0x1;
	s2 =	sshll.u32 s1, $0x6  }
0x6: {  	s7 =	simm.s32 $0x2;
	s13 =	simm.s32 $0x0;
	s1 =	ssub.s32 $0x1000, s2  }
0x7: {  	s8 =	simm.s32 $0x2000;
	s9 =	simm.s32 $0x80000;
	s3 =	sand.u32 $0x7C0, s1  }
0x8: {  	s14 =	simm.s32 $0x0;
	s5 =	sshrl.u32 s1, $0xB;
	p0 =	sne.s32 s3, $0x0  }
.Ltmp0:
0x9: {  	s1 =	rddreg [dreg:$0x2];
	s4 =	simm.s32 @!p0 $0x0;
	(pc) =	sbr.rel .LBB1_1-.Ltmp0, $4  }
0xa: {  	s10 =	simm.s32 $0x0;
	s3 =	rddreg [dreg:$0x1];
	s5 =	sadd.s32 s4, s5  }
0xb: {  	_ =	strace $0x8000004A;
	s4 =	simm.s32 $0x1;
	s5 =	smul.u32 $0x19, s5  }
0xc: {  	s12 =	simm.s32 $0x0;
	s6 =	sadd.s32 $0x800, s6;
	[sflag:s4] =	ssyncpa.u1 $0x0  }
0xd: {  	s11 =	smov.u32 s2;
	[sflag:s7] =	ssyncpa.u1 $0x0;
	s7 =	sadd.s32 $0x1, s5  }
.LBB1_7:
0xe: {  	s15 =	sadd.s32 $0x2, s10  }
0xf: {  	s13 =	sadd.s32 $0x800, s11;
	s17 =	smov.u32 s11;
	p1 =	sgt.s32 s15, $0x31  }
0x10: {  	s17 =	smov.u32 @p1 s13  }
0x11: {  	s15 =	simm.s32 @p1 $0x0;
	p1 =	sgt.s32 s17, $0xFFF  }
0x12: {  	s17 =	smov.u32 @p1 s2;
	p1 =	sne.s32 s12, s7  }
.Ltmp1:
0x13: {  	p0 =	slt.u32 s12, $0x2;
	(pc) =	sbr.rel @!p1 .LBB1_8-.Ltmp1, $4  }
0x14: {  	s16 =	simm.s32 @!p0 $0x2  }
0x15: {  	s14 =	smov.u32 s11;
	_ =	swait.ge @!p0 [sflag:s16], $0x4000  }
0x16: {  	s13 =	smov.u32 s10;
	[sflag:s16] =	ssyncset.done @!p0 $0x0;
	s10 =	smov.u32 s15  }
0x17: {  	s12 =	sadd.s32 $0x1, s12;
	[sflag:s16] =	ssyncadd.s32 @!p0 $0xFFFFC000;
	s11 =	smov.u32 s17  }
.LBB1_1:
0x18: {  	p0 =	sge.u32 s12, s5  }
0x19: {  	s15 =	sand.u32 @!p0 $0x1FFFFFF, s10  }
0x1a: {  	s16 =	smulhi.u32 @!p0 $0x4924925, s15;
	_ =	sdelay $0x1  }
0x1b: {  	s16 =	smul.u32 @!p0 $0x38, s16  }
0x1c: {  	s17 =	sxor.u32 @!p0 $0xFFFFFFFF, s12;
	s18 =	smul.u32 @!p0 $0x380, s11  }
0x1d: {  	s31 =	sadd.s32 $0xFFFFFFFF, s12;
	s17 =	sshll.u32 @!p0 s17, $0xE;
	s15 =	ssub.s32 @!p0 s15, s16  }
0x1e: {  	s16 =	sand.u32 @!p0 $0x4000, s17;
	s17 =	sadd.s32 @!p0 s6, s18;
	s15 =	sshll.u32 @!p0 s15, $0x4  }
0x1f: {  	s18 =	simm.s32 @!p0 $0x1C00;
	s15 =	sadd.s32 @!p0 s15, s17;
	s17 =	simm.s32 @!p0 $0x100  }
0x20: {  	[tilespmem:s16], [sflag:$0x1] =	stream.strided.gather @!p0 [hbm4b:s15+s17], $0x4000, s18, s17, $0x38;
	[tilespmem:$0x10000] =	vst v63  }
0x21: {  	p0 =	sge.u32 s31, s5  }
.Ltmp2:
0x22: {  	_ = 	snop;
	(pc) =	sbr.rel @p0 .LBB1_7-.Ltmp2, $1  }
0x23: {  	_ =	sdelay $0x3  }
0x24: {  	_ =	swait.ge [sflag:s4], $0x4000;
	s15 =	sshll.u32 s12, $0xE  }
0x25: {  	[sflag:s4] =	ssyncset.done $0x0;
	s16 =	sand.u32 $0x4000, s15  }
0x26: {  	s17 =	simm.s32 $0x0;
	[sflag:s4] =	ssyncadd.s32 $0xFFFFC000;
	s15 =	sor.u32 $0x8000, s16  }
.LBB1_3:
0x27: {  	s18 =	sshll.u32 s17, $0x8  }
0x28: {  	s18 =	sand.u32 $0x3FFFFF00, s18  }
0x29: {  	s19 =	sshll.u32 s17, $0x7;
	s18 =	sadd.s32 s18, s16  }
0x2a: {  	s19 =	sand.u32 $0x3FFFFF80, s19;
	v0 =	vmov s18  }
0x2b: {  	s19 =	sadd.s32 s19, s15  }
0x2c: {  	p0 =	por $0x1, $0x1;
	v1 =	vmov s19;
	s18 =	simm.s32 $0x0  }
.LBB1_4:
0x2d: {  	s19 =	sshll.u32 s18, $0x7  }
0x2e: {  	s19 =	sand.u32 $0x3FFFFF80, s19  }
0x2f: {  	v2 =	vld.idx.msk [tilespmem:v0+s19+$0x0 ss:$0x1], $0xffff  }
0x30: {  	v3 =	vld.idx.msk [tilespmem:v0+s19+$0x10 ss:$0x1], $0xffff  }
0x31: {  	v4 =	vld.idx.msk [tilespmem:v0+s19+$0x20 ss:$0x1], $0xffff  }
0x32: {  	s31 =	sshll.u32 s18, $0xD;
	v5 =	vld.idx.msk [tilespmem:v0+s19+$0x30 ss:$0x1], $0xffff  }
0x33: {  	s18 =	sand.u32 $0x3FFFE000, s31;
	v6 =	vld.idx.msk [tilespmem:v0+s19+$0x40 ss:$0x1], $0xffff  }
0x34: {  	v63 =	vld.idx.msk [tilespmem:v0+s19+$0x70 ss:$0x1], $0xffff;
	[tilespmem:v1+s18+$0x0 ss:$0x1] =	vst.idx.msk $0xffff, v2  }
0x35: {  	v2 =	vld.idx.msk [tilespmem:v0+s19+$0x50 ss:$0x1], $0xffff;
	[tilespmem:v1+s18+$0x10 ss:$0x1] =	vst.idx.msk $0xffff, v3  }
0x36: {  	p1 =	por p0, p0;
	v3 =	vld.idx.msk [tilespmem:v0+s19+$0x60 ss:$0x1], $0xffff;
	[tilespmem:v1+s18+$0x20 ss:$0x1] =	vst.idx.msk $0xffff, v4  }
.Ltmp3:
0x37: {  	[tilespmem:v1+s18+$0x30 ss:$0x1] =	vst.idx.msk $0xffff, v5;
	(pc) =	sbr.rel @p1 .LBB1_4-.Ltmp3, $4  }
0x38: {  	[tilespmem:v1+s18+$0x40 ss:$0x1] =	vst.idx.msk $0xffff, v6  }
0x39: {  	[tilespmem:v1+s18+$0x70 ss:$0x1] =	vst.idx.msk $0xffff, v63  }
0x3a: {  	[tilespmem:v1+s18+$0x50 ss:$0x1] =	vst.idx.msk $0xffff, v2  }
0x3b: {  	p0 =	por $0x0, $0x0;
	[tilespmem:v1+s18+$0x60 ss:$0x1] =	vst.idx.msk $0xffff, v3;
	s18 =	simm.s32 $0x1  }
0x3c: {  	s17 =	sadd.s32 $0x1, s17  }
0x3d: {  	p0 =	sne.s32 s17, $0x40  }
.Ltmp4:
0x3e: {  	_ = 	snop;
	(pc) =	sbr.rel @p0 .LBB1_3-.Ltmp4, $1  }
0x3f: {  	_ =	sdelay $0x3  }
.Ltmp5:
0x40: {  	s14 =	sshll.u32 s14, $0x4;
	(pc) =	sbr.rel .LBB1_7-.Ltmp5, $4  }
0x41: {  	s14 =	sand.u32 $0xFFF0, s14  }
0x42: {  	s13 =	sshll.u32 s13, $0x10;
	s14 =	sadd.s32 s3, s14  }
0x43: {  	s13 =	sadd.s32 s13, s14  }
0x44: {  	[hbm4b:s13+s8] =	stream.strided.scatter [tilespmem:s15], [sflag:$0x2], $0x4000, s9, s8, $0x38;
	[tilespmem:$0x10000] =	vst v63  }
.LBB1_8:
0x45: {  	_ =	sfence.sel $0x180000  }
0x46: {  	s2 =	simm.s32 $0x1;
	[bflag:$0x0] =	sbarrier.arrive $0xFFFF  }
0x47: {  	s31 =	simm.s32 $0x2;
	[sflag:s2] =	ssyncpa.u1 $0x1  }
0x48: {  	[sflag:s31] =	ssyncpa.u1 $0x1  }
0x49: {  	p0 =	sne.s32 s0, $0x0;
	_ =	strace $0x9000004A  }
0x4a: {  	s0 =	sadd.s32 @!p0 $0x100000, s1;
	[bflag:$0x2] =	sbarrier.arrive $0xFFFF  }
0x4b: {  	[sflag:s0] =	ssyncadd.tile.s32 @!p0 $0x1;
	_ =	shalt  }
.Lfunc_end1:
_tile_overlayer_lowered:
.L_overlay_start_2:
0x4c: {  	(tag) =	ssettag $0x2  }
0x4d: {  	s0 =	rddreg [dreg:$0x0];
	s2 =	stileid.u32  }
0x4e: {  	s1 =	rddreg [dreg:$0x1];
	p0 =	sne.s32 s2, $0x0  }
0x4f: {  	s3 =	rddreg [dreg:$0x2];
	[bflag:$0x3] =	sbarrier.arrive $0xFFFF;
	s2 =	simm.s32 @!p0 $0x1C01  }
0x50: {  	[timem:s3], [sflag:s2] =	dma.local @!p0 [hbm:s0], s1  }
0x51: {  	s0 =	simm.s32 @!p0 $0x1  }
0x52: {  	_ =	swait.ge @!p0 [sflag:s0], s1  }
0x53: {  	s1 =	ssub.s32 @!p0 $0x0, s1;
	[sflag:s0] =	ssyncset.done @!p0 $0x0  }
0x54: {  	[sflag:s0] =	ssyncadd.s32 @!p0 s1  }
0x55: {  	[bflag:$0x3] =	sbarrier.arrive $0xFFFF  }
0x56: {  	_ =	shalt  }

</sc_bundles>
